<compile_context>
chip_gen: v7x
topology: tpu7x:2x2x1
jax: 0.10.2.dev20260603
libtpu: 0.0.44.dev20260713+nightly
codegen_flags: <defaults>
</compile_context>

<pallas_src>
import functools

import jax
import jax.numpy as jnp
from jax import lax
from jax.experimental import pallas as pl
from jax.experimental.pallas import tpu as pltpu
from jax.experimental.pallas import tpu_sc as plsc

_B0 = 16


def _vq_body(zt_ref, cbt_ref, q_ref):
    cbt = cbt_ref[...]
    en = cbt / jnp.maximum(
        jnp.sqrt(jnp.sum(cbt * cbt, axis=0, keepdims=True)), 1e-12)
    k = cbt.shape[1]
    qs = []
    for b in range(_B0):
        zb = zt_ref[b]
        zn = zb / jnp.maximum(
            jnp.sqrt(jnp.sum(zb * zb, axis=0, keepdims=True)), 1e-12)
        sims = jax.lax.dot_general(
            en, zn, (((0,), (0,)), ((), ())),
            precision=jax.lax.Precision.DEFAULT)
        row = jax.lax.broadcasted_iota(jnp.int32, sims.shape, 0)
        sims = jnp.where(row == 0, -jnp.inf, sims)
        m = jnp.max(sims, axis=0, keepdims=True)
        qs.append(jnp.min(jnp.where(sims == m, row, k), axis=0))
    qi = jnp.concatenate(qs)
    rows = qi.shape[0]
    q_ref[pl.ds(pl.program_id(0) * rows, rows)] = qi


def _argmax_tc(zt, cbt):
    b, d, n = zt.shape
    k = cbt.shape[1]
    m = b * n
    return pl.pallas_call(
        _vq_body,
        grid=(b // _B0,),
        in_specs=[
            pl.BlockSpec((_B0, d, n), lambda i: (i, 0, 0)),
            pl.BlockSpec((d, k), lambda i: (0, 0)),
        ],
        out_specs=pl.BlockSpec((m,), lambda i: (0,)),
        out_shape=jax.ShapeDtypeStruct((m,), jnp.int32),
    )(zt, cbt)


def _gather_sc(codebook, idx_flat, b, n):
    d = codebook.shape[1]
    bpw = n
    chunk = 96
    nch = bpw // chunk
    mesh = plsc.VectorSubcoreMesh(core_axis_name="c", subcore_axis_name="s")

    @functools.partial(
        pl.kernel, mesh=mesh,
        compiler_params=pltpu.CompilerParams(use_tc_tiling_on_sc=False),
        out_type=jax.ShapeDtypeStruct((b, n, d), jnp.float32),
        scratch_types=[
            pltpu.VMEM((bpw,), jnp.int32),
            pltpu.VMEM((bpw, d), jnp.float32),
            pltpu.SemaphoreType.DMA,
        ],
    )
    def gather(cb_hbm, idx_hbm, out_hbm, idx_v, rows_v, sem):
        wid = lax.axis_index("s") * 2 + lax.axis_index("c")
        pltpu.sync_copy(idx_hbm.at[pl.ds(wid * bpw, bpw)], idx_v)
        copies = [
            pltpu.async_copy(
                cb_hbm.at[idx_v.at[pl.ds(j * chunk, chunk)]],
                rows_v.at[pl.ds(j * chunk, chunk), :],
                sem,
            )
            for j in range(nch)
        ]
        for c in copies:
            c.wait()
        pltpu.sync_copy(rows_v, out_hbm.at[wid])

    return gather(codebook, idx_flat)


def kernel(z, codebook):
    b, n, d = z.shape
    zt = jnp.swapaxes(z, 1, 2)
    cbt = codebook.T
    q = _argmax_tc(zt, cbt)
    emb = _gather_sc(codebook, q, b, n)
    return emb, q.reshape(b, n, 1)

# --- scband reference (transcript-rebuilt; emitter-appended) ---
"""Pipeline reference for scband-base-vector-quantizer-27539330302002 (READ-ONLY COPY).

The authoritative reference and input builder live on the scoring server;
editing this copy changes nothing except your own understanding.
"""

import jax, jax.numpy as jnp
import numpy as np

CODEBOOK_SIZE = 1024
CODE_DIM = 64
PADDING_IDX = 0


def setup_inputs(seed: int = 0) -> dict:
    key = jax.random.key(seed)
    k1, k2 = jax.random.split(key)
    z = jax.random.normal(k1, (32, 576, CODE_DIM), dtype=jnp.float32)
    codebook = jax.random.normal(k2, (CODEBOOK_SIZE, CODE_DIM), dtype=jnp.float32) * 0.02
    return {"z": z, "codebook": codebook}


def reference(z, codebook):
    # BaseVectorQuantizer.get_quants with distance_type='cosine', prob_decay=0 (argmax path),
    # padding_idx=0 (padding row excluded from nearest-neighbor search), h_last=False.
    K, D = codebook.shape
    shape = z.shape
    zf = z.reshape(-1, D)
    # exclude padding index from candidate codes
    full_idx = jnp.arange(K, dtype=jnp.int64)
    idx = jnp.concatenate([full_idx[:PADDING_IDX], full_idx[PADDING_IDX + 1:]], axis=0)
    emb_mtx = jnp.take(codebook, idx, axis=0)
    # cosine similarity: F.normalize(z) @ F.normalize(emb_mtx.T, dim=0)
    zn = zf / jnp.maximum(jnp.linalg.norm(zf, axis=-1, keepdims=True), 1e-12)
    en = emb_mtx / jnp.maximum(jnp.linalg.norm(emb_mtx, axis=-1, keepdims=True), 1e-12)
    cos_sim = zn @ en.T
    q = jnp.argmax(cos_sim, axis=1)
    q_indices = jnp.take(idx, q, axis=0)
    q_indices = q_indices.reshape(shape[:-1] + (1,))
    # embed_code: gather selected codes from the full codebook
    embedding = jnp.take(codebook, q_indices[..., 0], axis=0)
    return embedding, q_indices

if __name__ == "__main__":
    import jax
    _d = setup_inputs()
    print(jax.jit(kernel)(*tuple(_d.values())))

</pallas_src>

<mosaic_0001>
#map = affine_map<(d0, d1) -> (0, 0)>
#map1 = affine_map<(d0, d1) -> (0)>
#map2 = affine_map<(d0, d1) -> (0, 0, 0)>
module attributes {stable_mosaic.version = 14 : i64} {
  func.func @gather(%arg0: i32, %arg1: i32, %arg2: memref<1024x64xf32, #tpu.memory_space<hbm>>, %arg3: memref<18432xi32, #tpu.memory_space<hbm>>, %arg4: memref<32x576x64xf32, #tpu.memory_space<hbm>>, %arg5: memref<576xi32, #tpu.memory_space<vmem>>, %arg6: memref<576x64xf32, #tpu.memory_space<vmem>>, %arg7: memref<!tpu.dma_semaphore, #tpu.memory_space<semaphore_mem>>) attributes {dimension_semantics = [#tpu.dimension_semantics<core_parallel>, #tpu.dimension_semantics<subcore_parallel>], iteration_bounds = array<i64: 2, 16>, scalar_prefetch = 0 : i64, scratch_operands = 3 : i64, tpu.core_type = #tpu.core_type<sc_vector_subcore>, window_params = [{transform_indices = #map}, {transform_indices = #map1}, {transform_indices = #map2}]} {
    %mul3A = arith.constant 2 : i32
    %mul3A_0 = arith.muli %arg1, %mul3A : i32
    %add3A = arith.addi %mul3A_0, %arg0 : i32
    %mul3A_1 = arith.constant 576 : i32
    %mul3A_2 = arith.muli %add3A, %mul3A_1 : i32
    "tpu.region"() ({
      %run_scoped3A = tpu.sem_alloc : memref<!tpu.dma_semaphore, #tpu.memory_space<semaphore_mem>>
      %dma_start3A_97 = tpu.memref_slice %arg3[%mul3A_2] : memref<18432xi32, #tpu.memory_space<hbm>> -> memref<576xi32, #tpu.memory_space<hbm>>
      %dma_start3A_98 = tpu.memref_slice %arg3[%mul3A_2] : memref<18432xi32, #tpu.memory_space<hbm>> -> memref<576xi32, #tpu.memory_space<hbm>>
      tpu.enqueue_dma source(%dma_start3A_98 : memref<576xi32, #tpu.memory_space<hbm>>) target(%arg5 : memref<576xi32, #tpu.memory_space<vmem>>) target_semaphore(%run_scoped3A : memref<!tpu.dma_semaphore, #tpu.memory_space<semaphore_mem>>)
      %dma_wait3A_99 = tpu.memref_slice %arg3[%mul3A_2] : memref<18432xi32, #tpu.memory_space<hbm>> -> memref<576xi32, #tpu.memory_space<hbm>>
      %dma_wait3A_100 = tpu.memref_slice %arg3[%mul3A_2] : memref<18432xi32, #tpu.memory_space<hbm>> -> memref<576xi32, #tpu.memory_space<hbm>>
      tpu.wait_dma2 semaphore(%run_scoped3A : memref<!tpu.dma_semaphore, #tpu.memory_space<semaphore_mem>>) src(%dma_wait3A_100 : memref<576xi32, #tpu.memory_space<hbm>>) dst(%arg5 : memref<576xi32, #tpu.memory_space<vmem>>)
      tpu.yield
    }) : () -> ()
    %dma_start3A = arith.constant 0 : i32
    %dma_start3A_3 = arith.constant 0 : i32
    %dma_start3A_4 = tpu.memref_slice %arg6[%dma_start3A, %dma_start3A_3] : memref<576x64xf32, #tpu.memory_space<vmem>> -> memref<96x64xf32, #tpu.memory_space<vmem>>
    %dma_start3A_5 = arith.constant 0 : i32
    %dma_start3A_6 = tpu.memref_slice %arg5[%dma_start3A_5] : memref<576xi32, #tpu.memory_space<vmem>> -> memref<96xi32, #tpu.memory_space<vmem>>
    %dma_start3A_7 = arith.constant 0 : i32
    %dma_start3A_8 = arith.constant 0 : i32
    %dma_start3A_9 = tpu.memref_slice %arg2[%dma_start3A_7, %dma_start3A_8] : memref<1024x64xf32, #tpu.memory_space<hbm>> -> memref<1024x64xf32, #tpu.memory_space<hbm>>
    tpu.enqueue_indirect_dma source(%dma_start3A_9 : memref<1024x64xf32, #tpu.memory_space<hbm>>) target(%dma_start3A_4 : memref<96x64xf32, #tpu.memory_space<vmem>>) offsets(%dma_start3A_6 : memref<96xi32, #tpu.memory_space<vmem>>) semaphore(%arg7 : memref<!tpu.dma_semaphore, #tpu.memory_space<semaphore_mem>>)
    %dma_start3A_10 = arith.constant 96 : i32
    %dma_start3A_11 = arith.constant 0 : i32
    %dma_start3A_12 = tpu.memref_slice %arg6[%dma_start3A_10, %dma_start3A_11] : memref<576x64xf32, #tpu.memory_space<vmem>> -> memref<96x64xf32, #tpu.memory_space<vmem>>
    %dma_start3A_13 = arith.constant 96 : i32
    %dma_start3A_14 = tpu.memref_slice %arg5[%dma_start3A_13] : memref<576xi32, #tpu.memory_space<vmem>> -> memref<96xi32, #tpu.memory_space<vmem>>
    %dma_start3A_15 = arith.constant 0 : i32
    %dma_start3A_16 = arith.constant 0 : i32
    %dma_start3A_17 = tpu.memref_slice %arg2[%dma_start3A_15, %dma_start3A_16] : memref<1024x64xf32, #tpu.memory_space<hbm>> -> memref<1024x64xf32, #tpu.memory_space<hbm>>
    tpu.enqueue_indirect_dma source(%dma_start3A_17 : memref<1024x64xf32, #tpu.memory_space<hbm>>) target(%dma_start3A_12 : memref<96x64xf32, #tpu.memory_space<vmem>>) offsets(%dma_start3A_14 : memref<96xi32, #tpu.memory_space<vmem>>) semaphore(%arg7 : memref<!tpu.dma_semaphore, #tpu.memory_space<semaphore_mem>>)
    %dma_start3A_18 = arith.constant 192 : i32
    %dma_start3A_19 = arith.constant 0 : i32
    %dma_start3A_20 = tpu.memref_slice %arg6[%dma_start3A_18, %dma_start3A_19] : memref<576x64xf32, #tpu.memory_space<vmem>> -> memref<96x64xf32, #tpu.memory_space<vmem>>
    %dma_start3A_21 = arith.constant 192 : i32
    %dma_start3A_22 = tpu.memref_slice %arg5[%dma_start3A_21] : memref<576xi32, #tpu.memory_space<vmem>> -> memref<96xi32, #tpu.memory_space<vmem>>
    %dma_start3A_23 = arith.constant 0 : i32
    %dma_start3A_24 = arith.constant 0 : i32
    %dma_start3A_25 = tpu.memref_slice %arg2[%dma_start3A_23, %dma_start3A_24] : memref<1024x64xf32, #tpu.memory_space<hbm>> -> memref<1024x64xf32, #tpu.memory_space<hbm>>
    tpu.enqueue_indirect_dma source(%dma_start3A_25 : memref<1024x64xf32, #tpu.memory_space<hbm>>) target(%dma_start3A_20 : memref<96x64xf32, #tpu.memory_space<vmem>>) offsets(%dma_start3A_22 : memref<96xi32, #tpu.memory_space<vmem>>) semaphore(%arg7 : memref<!tpu.dma_semaphore, #tpu.memory_space<semaphore_mem>>)
    %dma_start3A_26 = arith.constant 288 : i32
    %dma_start3A_27 = arith.constant 0 : i32
    %dma_start3A_28 = tpu.memref_slice %arg6[%dma_start3A_26, %dma_start3A_27] : memref<576x64xf32, #tpu.memory_space<vmem>> -> memref<96x64xf32, #tpu.memory_space<vmem>>
    %dma_start3A_29 = arith.constant 288 : i32
    %dma_start3A_30 = tpu.memref_slice %arg5[%dma_start3A_29] : memref<576xi32, #tpu.memory_space<vmem>> -> memref<96xi32, #tpu.memory_space<vmem>>
    %dma_start3A_31 = arith.constant 0 : i32
    %dma_start3A_32 = arith.constant 0 : i32
    %dma_start3A_33 = tpu.memref_slice %arg2[%dma_start3A_31, %dma_start3A_32] : memref<1024x64xf32, #tpu.memory_space<hbm>> -> memref<1024x64xf32, #tpu.memory_space<hbm>>
    tpu.enqueue_indirect_dma source(%dma_start3A_33 : memref<1024x64xf32, #tpu.memory_space<hbm>>) target(%dma_start3A_28 : memref<96x64xf32, #tpu.memory_space<vmem>>) offsets(%dma_start3A_30 : memref<96xi32, #tpu.memory_space<vmem>>) semaphore(%arg7 : memref<!tpu.dma_semaphore, #tpu.memory_space<semaphore_mem>>)
    %dma_start3A_34 = arith.constant 384 : i32
    %dma_start3A_35 = arith.constant 0 : i32
    %dma_start3A_36 = tpu.memref_slice %arg6[%dma_start3A_34, %dma_start3A_35] : memref<576x64xf32, #tpu.memory_space<vmem>> -> memref<96x64xf32, #tpu.memory_space<vmem>>
    %dma_start3A_37 = arith.constant 384 : i32
    %dma_start3A_38 = tpu.memref_slice %arg5[%dma_start3A_37] : memref<576xi32, #tpu.memory_space<vmem>> -> memref<96xi32, #tpu.memory_space<vmem>>
    %dma_start3A_39 = arith.constant 0 : i32
    %dma_start3A_40 = arith.constant 0 : i32
    %dma_start3A_41 = tpu.memref_slice %arg2[%dma_start3A_39, %dma_start3A_40] : memref<1024x64xf32, #tpu.memory_space<hbm>> -> memref<1024x64xf32, #tpu.memory_space<hbm>>
    tpu.enqueue_indirect_dma source(%dma_start3A_41 : memref<1024x64xf32, #tpu.memory_space<hbm>>) target(%dma_start3A_36 : memref<96x64xf32, #tpu.memory_space<vmem>>) offsets(%dma_start3A_38 : memref<96xi32, #tpu.memory_space<vmem>>) semaphore(%arg7 : memref<!tpu.dma_semaphore, #tpu.memory_space<semaphore_mem>>)
    %dma_start3A_42 = arith.constant 480 : i32
    %dma_start3A_43 = arith.constant 0 : i32
    %dma_start3A_44 = tpu.memref_slice %arg6[%dma_start3A_42, %dma_start3A_43] : memref<576x64xf32, #tpu.memory_space<vmem>> -> memref<96x64xf32, #tpu.memory_space<vmem>>
    %dma_start3A_45 = arith.constant 480 : i32
    %dma_start3A_46 = tpu.memref_slice %arg5[%dma_start3A_45] : memref<576xi32, #tpu.memory_space<vmem>> -> memref<96xi32, #tpu.memory_space<vmem>>
    %dma_start3A_47 = arith.constant 0 : i32
    %dma_start3A_48 = arith.constant 0 : i32
    %dma_start3A_49 = tpu.memref_slice %arg2[%dma_start3A_47, %dma_start3A_48] : memref<1024x64xf32, #tpu.memory_space<hbm>> -> memref<1024x64xf32, #tpu.memory_space<hbm>>
    tpu.enqueue_indirect_dma source(%dma_start3A_49 : memref<1024x64xf32, #tpu.memory_space<hbm>>) target(%dma_start3A_44 : memref<96x64xf32, #tpu.memory_space<vmem>>) offsets(%dma_start3A_46 : memref<96xi32, #tpu.memory_space<vmem>>) semaphore(%arg7 : memref<!tpu.dma_semaphore, #tpu.memory_space<semaphore_mem>>)
    %dma_wait3A = arith.constant 0 : i32
    %dma_wait3A_50 = arith.constant 0 : i32
    %dma_wait3A_51 = tpu.memref_slice %arg6[%dma_wait3A, %dma_wait3A_50] : memref<576x64xf32, #tpu.memory_space<vmem>> -> memref<96x64xf32, #tpu.memory_space<vmem>>
    %dma_wait3A_52 = arith.constant 0 : i32
    %dma_wait3A_53 = tpu.memref_slice %arg5[%dma_wait3A_52] : memref<576xi32, #tpu.memory_space<vmem>> -> memref<96xi32, #tpu.memory_space<vmem>>
    %dma_wait3A_54 = arith.constant 0 : i32
    %dma_wait3A_55 = arith.constant 0 : i32
    %dma_wait3A_56 = tpu.memref_slice %arg2[%dma_wait3A_54, %dma_wait3A_55] : memref<1024x64xf32, #tpu.memory_space<hbm>> -> memref<1024x64xf32, #tpu.memory_space<hbm>>
    tpu.wait_indirect_dma semaphore(%arg7 : memref<!tpu.dma_semaphore, #tpu.memory_space<semaphore_mem>>) src(%dma_wait3A_56 : memref<1024x64xf32, #tpu.memory_space<hbm>>) dst(%dma_wait3A_51 : memref<96x64xf32, #tpu.memory_space<vmem>>)
    %dma_wait3A_57 = arith.constant 96 : i32
    %dma_wait3A_58 = arith.constant 0 : i32
    %dma_wait3A_59 = tpu.memref_slice %arg6[%dma_wait3A_57, %dma_wait3A_58] : memref<576x64xf32, #tpu.memory_space<vmem>> -> memref<96x64xf32, #tpu.memory_space<vmem>>
    %dma_wait3A_60 = arith.constant 96 : i32
    %dma_wait3A_61 = tpu.memref_slice %arg5[%dma_wait3A_60] : memref<576xi32, #tpu.memory_space<vmem>> -> memref<96xi32, #tpu.memory_space<vmem>>
    %dma_wait3A_62 = arith.constant 0 : i32
    %dma_wait3A_63 = arith.constant 0 : i32
    %dma_wait3A_64 = tpu.memref_slice %arg2[%dma_wait3A_62, %dma_wait3A_63] : memref<1024x64xf32, #tpu.memory_space<hbm>> -> memref<1024x64xf32, #tpu.memory_space<hbm>>
    tpu.wait_indirect_dma semaphore(%arg7 : memref<!tpu.dma_semaphore, #tpu.memory_space<semaphore_mem>>) src(%dma_wait3A_64 : memref<1024x64xf32, #tpu.memory_space<hbm>>) dst(%dma_wait3A_59 : memref<96x64xf32, #tpu.memory_space<vmem>>)
    %dma_wait3A_65 = arith.constant 192 : i32
    %dma_wait3A_66 = arith.constant 0 : i32
    %dma_wait3A_67 = tpu.memref_slice %arg6[%dma_wait3A_65, %dma_wait3A_66] : memref<576x64xf32, #tpu.memory_space<vmem>> -> memref<96x64xf32, #tpu.memory_space<vmem>>
    %dma_wait3A_68 = arith.constant 192 : i32
    %dma_wait3A_69 = tpu.memref_slice %arg5[%dma_wait3A_68] : memref<576xi32, #tpu.memory_space<vmem>> -> memref<96xi32, #tpu.memory_space<vmem>>
    %dma_wait3A_70 = arith.constant 0 : i32
    %dma_wait3A_71 = arith.constant 0 : i32
    %dma_wait3A_72 = tpu.memref_slice %arg2[%dma_wait3A_70, %dma_wait3A_71] : memref<1024x64xf32, #tpu.memory_space<hbm>> -> memref<1024x64xf32, #tpu.memory_space<hbm>>
    tpu.wait_indirect_dma semaphore(%arg7 : memref<!tpu.dma_semaphore, #tpu.memory_space<semaphore_mem>>) src(%dma_wait3A_72 : memref<1024x64xf32, #tpu.memory_space<hbm>>) dst(%dma_wait3A_67 : memref<96x64xf32, #tpu.memory_space<vmem>>)
    %dma_wait3A_73 = arith.constant 288 : i32
    %dma_wait3A_74 = arith.constant 0 : i32
    %dma_wait3A_75 = tpu.memref_slice %arg6[%dma_wait3A_73, %dma_wait3A_74] : memref<576x64xf32, #tpu.memory_space<vmem>> -> memref<96x64xf32, #tpu.memory_space<vmem>>
    %dma_wait3A_76 = arith.constant 288 : i32
    %dma_wait3A_77 = tpu.memref_slice %arg5[%dma_wait3A_76] : memref<576xi32, #tpu.memory_space<vmem>> -> memref<96xi32, #tpu.memory_space<vmem>>
    %dma_wait3A_78 = arith.constant 0 : i32
    %dma_wait3A_79 = arith.constant 0 : i32
    %dma_wait3A_80 = tpu.memref_slice %arg2[%dma_wait3A_78, %dma_wait3A_79] : memref<1024x64xf32, #tpu.memory_space<hbm>> -> memref<1024x64xf32, #tpu.memory_space<hbm>>
    tpu.wait_indirect_dma semaphore(%arg7 : memref<!tpu.dma_semaphore, #tpu.memory_space<semaphore_mem>>) src(%dma_wait3A_80 : memref<1024x64xf32, #tpu.memory_space<hbm>>) dst(%dma_wait3A_75 : memref<96x64xf32, #tpu.memory_space<vmem>>)
    %dma_wait3A_81 = arith.constant 384 : i32
    %dma_wait3A_82 = arith.constant 0 : i32
    %dma_wait3A_83 = tpu.memref_slice %arg6[%dma_wait3A_81, %dma_wait3A_82] : memref<576x64xf32, #tpu.memory_space<vmem>> -> memref<96x64xf32, #tpu.memory_space<vmem>>
    %dma_wait3A_84 = arith.constant 384 : i32
    %dma_wait3A_85 = tpu.memref_slice %arg5[%dma_wait3A_84] : memref<576xi32, #tpu.memory_space<vmem>> -> memref<96xi32, #tpu.memory_space<vmem>>
    %dma_wait3A_86 = arith.constant 0 : i32
    %dma_wait3A_87 = arith.constant 0 : i32
    %dma_wait3A_88 = tpu.memref_slice %arg2[%dma_wait3A_86, %dma_wait3A_87] : memref<1024x64xf32, #tpu.memory_space<hbm>> -> memref<1024x64xf32, #tpu.memory_space<hbm>>
    tpu.wait_indirect_dma semaphore(%arg7 : memref<!tpu.dma_semaphore, #tpu.memory_space<semaphore_mem>>) src(%dma_wait3A_88 : memref<1024x64xf32, #tpu.memory_space<hbm>>) dst(%dma_wait3A_83 : memref<96x64xf32, #tpu.memory_space<vmem>>)
    %dma_wait3A_89 = arith.constant 480 : i32
    %dma_wait3A_90 = arith.constant 0 : i32
    %dma_wait3A_91 = tpu.memref_slice %arg6[%dma_wait3A_89, %dma_wait3A_90] : memref<576x64xf32, #tpu.memory_space<vmem>> -> memref<96x64xf32, #tpu.memory_space<vmem>>
    %dma_wait3A_92 = arith.constant 480 : i32
    %dma_wait3A_93 = tpu.memref_slice %arg5[%dma_wait3A_92] : memref<576xi32, #tpu.memory_space<vmem>> -> memref<96xi32, #tpu.memory_space<vmem>>
    %dma_wait3A_94 = arith.constant 0 : i32
    %dma_wait3A_95 = arith.constant 0 : i32
    %dma_wait3A_96 = tpu.memref_slice %arg2[%dma_wait3A_94, %dma_wait3A_95] : memref<1024x64xf32, #tpu.memory_space<hbm>> -> memref<1024x64xf32, #tpu.memory_space<hbm>>
    tpu.wait_indirect_dma semaphore(%arg7 : memref<!tpu.dma_semaphore, #tpu.memory_space<semaphore_mem>>) src(%dma_wait3A_96 : memref<1024x64xf32, #tpu.memory_space<hbm>>) dst(%dma_wait3A_91 : memref<96x64xf32, #tpu.memory_space<vmem>>)
    "tpu.region"() ({
      %run_scoped3A = tpu.sem_alloc : memref<!tpu.dma_semaphore, #tpu.memory_space<semaphore_mem>>
      %dma_start3A_97 = arith.constant 0 : i32
      %dma_start3A_98 = arith.constant 0 : i32
      %dma_start3A_99 = tpu.memref_slice %arg4[%add3A, %dma_start3A_97, %dma_start3A_98] : memref<32x576x64xf32, #tpu.memory_space<hbm>> -> memref<1x576x64xf32, #tpu.memory_space<hbm>>
      %dma_start3A_100 = tpu.memref_squeeze %dma_start3A_99 : memref<1x576x64xf32, #tpu.memory_space<hbm>> -> memref<576x64xf32, #tpu.memory_space<hbm>>
      %dma_start3A_101 = arith.constant 0 : i32
      %dma_start3A_102 = arith.constant 0 : i32
      %dma_start3A_103 = tpu.memref_slice %arg4[%add3A, %dma_start3A_101, %dma_start3A_102] : memref<32x576x64xf32, #tpu.memory_space<hbm>> -> memref<1x576x64xf32, #tpu.memory_space<hbm>>
      %dma_start3A_104 = tpu.memref_squeeze %dma_start3A_103 : memref<1x576x64xf32, #tpu.memory_space<hbm>> -> memref<576x64xf32, #tpu.memory_space<hbm>>
      tpu.enqueue_dma source(%arg6 : memref<576x64xf32, #tpu.memory_space<vmem>>) target(%dma_start3A_104 : memref<576x64xf32, #tpu.memory_space<hbm>>) target_semaphore(%run_scoped3A : memref<!tpu.dma_semaphore, #tpu.memory_space<semaphore_mem>>)
      %dma_wait3A_105 = arith.constant 0 : i32
      %dma_wait3A_106 = arith.constant 0 : i32
      %dma_wait3A_107 = tpu.memref_slice %arg4[%add3A, %dma_wait3A_105, %dma_wait3A_106] : memref<32x576x64xf32, #tpu.memory_space<hbm>> -> memref<1x576x64xf32, #tpu.memory_space<hbm>>
      %dma_wait3A_108 = tpu.memref_squeeze %dma_wait3A_107 : memref<1x576x64xf32, #tpu.memory_space<hbm>> -> memref<576x64xf32, #tpu.memory_space<hbm>>
      %dma_wait3A_109 = arith.constant 0 : i32
      %dma_wait3A_110 = arith.constant 0 : i32
      %dma_wait3A_111 = tpu.memref_slice %arg4[%add3A, %dma_wait3A_109, %dma_wait3A_110] : memref<32x576x64xf32, #tpu.memory_space<hbm>> -> memref<1x576x64xf32, #tpu.memory_space<hbm>>
      %dma_wait3A_112 = tpu.memref_squeeze %dma_wait3A_111 : memref<1x576x64xf32, #tpu.memory_space<hbm>> -> memref<576x64xf32, #tpu.memory_space<hbm>>
      tpu.wait_dma2 semaphore(%run_scoped3A : memref<!tpu.dma_semaphore, #tpu.memory_space<semaphore_mem>>) src(%arg6 : memref<576x64xf32, #tpu.memory_space<vmem>>) dst(%dma_wait3A_112 : memref<576x64xf32, #tpu.memory_space<hbm>>)
      tpu.yield
    }) : () -> ()
    return
  }
}

module attributes {stable_mosaic.version = 14 : i64} {
  func.func @_vq_body(%arg0: i32, %arg1: memref<16x64x576xf32, #tpu.memory_space<vmem>>, %arg2: memref<64x1024xf32, #tpu.memory_space<vmem>>, %arg3: memref<18432xi32, #tpu.memory_space<vmem>>) attributes {dimension_semantics = [#tpu.dimension_semantics<arbitrary>], iteration_bounds = array<i64: 2>, scalar_prefetch = 0 : i64, scratch_operands = 0 : i64, tpu.core_type = #tpu.core_type<tc>, window_params = [{transform_indices = @transform_0, window_bounds = array<i64: 16, 64, 576>}, {pipeline_mode = #tpu.pipeline_mode<synchronous>, transform_indices = @transform_1, window_bounds = array<i64: 64, 1024>}, {pipeline_mode = #tpu.pipeline_mode<synchronous>, transform_indices = @transform_2, window_bounds = array<i64: 18432>}]} {
    %get3A = arith.constant 0 : index
    %get3A_0 = arith.constant 0 : index
    %get3A_1 = vector.load %arg2[%get3A, %get3A_0] : memref<64x1024xf32, #tpu.memory_space<vmem>>, vector<64x1024xf32>
    %mul3A = arith.mulf %get3A_1, %get3A_1 : vector<64x1024xf32>
    %reduce_sum3A = arith.constant dense<0.000000e+00> : vector<1024xf32>
    %reduce_sum3A_2 = vector.multi_reduction <add>, %mul3A, %reduce_sum3A [0] : vector<64x1024xf32> to vector<1024xf32>
    %broadcast_in_dim3A = vector.shape_cast %reduce_sum3A_2 : vector<1024xf32> to vector<1x1024xf32>
    %sqrt3A = math.sqrt %broadcast_in_dim3A : vector<1x1024xf32>
    %max3A = arith.constant 9.99999996E-13 : f32
    %max3A_3 = vector.broadcast %max3A : f32 to vector<1x1024xf32>
    %max3A_4 = arith.maximumf %sqrt3A, %max3A_3 : vector<1x1024xf32>
    %div3A = vector.broadcast %max3A_4 : vector<1x1024xf32> to vector<64x1024xf32>
    %div3A_5 = arith.divf %get3A_1, %div3A : vector<64x1024xf32>
    %get3A_6 = arith.constant 0 : index
    %get3A_7 = arith.constant 0 : index
    %get3A_8 = arith.constant 0 : index
    %get3A_9 = vector.load %arg1[%get3A_6, %get3A_7, %get3A_8] : memref<16x64x576xf32, #tpu.memory_space<vmem>>, vector<1x64x576xf32>
    %get3A_10 = vector.shape_cast %get3A_9 : vector<1x64x576xf32> to vector<64x576xf32>
    %mul3A_11 = arith.mulf %get3A_10, %get3A_10 : vector<64x576xf32>
    %reduce_sum3A_12 = arith.constant dense<0.000000e+00> : vector<576xf32>
    %reduce_sum3A_13 = vector.multi_reduction <add>, %mul3A_11, %reduce_sum3A_12 [0] : vector<64x576xf32> to vector<576xf32>
    %broadcast_in_dim3A_14 = vector.shape_cast %reduce_sum3A_13 : vector<576xf32> to vector<1x576xf32>
    %sqrt3A_15 = math.sqrt %broadcast_in_dim3A_14 : vector<1x576xf32>
    %max3A_16 = arith.constant 9.99999996E-13 : f32
    %max3A_17 = vector.broadcast %max3A_16 : f32 to vector<1x576xf32>
    %max3A_18 = arith.maximumf %sqrt3A_15, %max3A_17 : vector<1x576xf32>
    %div3A_19 = vector.broadcast %max3A_18 : vector<1x576xf32> to vector<64x576xf32>
    %div3A_20 = arith.divf %get3A_10, %div3A_19 : vector<64x576xf32>
    %dot_general3A = arith.constant dense<0.000000e+00> : vector<1024x576xf32>
    %dot_general3A_21 = tpu.matmul %div3A_5, %div3A_20, %dot_general3A {dimension_numbers = #tpu.dot_dimension_numbers<[0], [0], [1], [1], [0, 1, 1, 1], [], []>, transpose_lhs_hint = false} : vector<64x1024xf32>, vector<64x576xf32>, vector<1024x576xf32> -> vector<1024x576xf32>
    %iota3A = tpu.iota {dimensions = array<i32: 0>} : vector<1024x576xi32>
    %eq3A = arith.constant 0 : i32
    %eq3A_22 = vector.broadcast %eq3A : i32 to vector<1024x576xi32>
    %eq3A_23 = arith.cmpi eq, %iota3A, %eq3A_22 : vector<1024x576xi32>
    %jit3A = arith.constant 0xFF800000 : f32
    %broadcast_in_dim3A_24 = vector.broadcast %jit3A : f32 to vector<1024x576xf32>
    %select_n3A = arith.select %eq3A_23, %broadcast_in_dim3A_24, %dot_general3A_21 : vector<1024x576xi1>, vector<1024x576xf32>
    %reduce_max3A = arith.constant dense<0xFF800000> : vector<576xf32>
    %reduce_max3A_25 = vector.multi_reduction <maximumf>, %select_n3A, %reduce_max3A [0] : vector<1024x576xf32> to vector<576xf32>
    %broadcast_in_dim3A_26 = vector.shape_cast %reduce_max3A_25 : vector<576xf32> to vector<1x576xf32>
    %eq3A_27 = vector.broadcast %broadcast_in_dim3A_26 : vector<1x576xf32> to vector<1024x576xf32>
    %eq3A_28 = arith.cmpf oeq, %select_n3A, %eq3A_27 : vector<1024x576xf32>
    %jit3A_29 = arith.constant 1024 : i32
    %broadcast_in_dim3A_30 = vector.broadcast %jit3A_29 : i32 to vector<1024x576xi32>
    %select_n3A_31 = arith.select %eq3A_28, %iota3A, %broadcast_in_dim3A_30 : vector<1024x576xi1>, vector<1024x576xi32>
    %reduce_min3A = arith.constant dense<2147483647> : vector<576xi32>
    %reduce_min3A_32 = vector.multi_reduction <minsi>, %select_n3A_31, %reduce_min3A [0] : vector<1024x576xi32> to vector<576xi32>
    %get3A_33 = arith.constant 1 : index
    %get3A_34 = arith.constant 0 : index
    %get3A_35 = arith.constant 0 : index
    %get3A_36 = vector.load %arg1[%get3A_33, %get3A_34, %get3A_35] : memref<16x64x576xf32, #tpu.memory_space<vmem>>, vector<1x64x576xf32>
    %get3A_37 = vector.shape_cast %get3A_36 : vector<1x64x576xf32> to vector<64x576xf32>
    %mul3A_38 = arith.mulf %get3A_37, %get3A_37 : vector<64x576xf32>
    %reduce_sum3A_39 = arith.constant dense<0.000000e+00> : vector<576xf32>
    %reduce_sum3A_40 = vector.multi_reduction <add>, %mul3A_38, %reduce_sum3A_39 [0] : vector<64x576xf32> to vector<576xf32>
    %broadcast_in_dim3A_41 = vector.shape_cast %reduce_sum3A_40 : vector<576xf32> to vector<1x576xf32>
    %sqrt3A_42 = math.sqrt %broadcast_in_dim3A_41 : vector<1x576xf32>
    %max3A_43 = arith.constant 9.99999996E-13 : f32
    %max3A_44 = vector.broadcast %max3A_43 : f32 to vector<1x576xf32>
    %max3A_45 = arith.maximumf %sqrt3A_42, %max3A_44 : vector<1x576xf32>
    %div3A_46 = vector.broadcast %max3A_45 : vector<1x576xf32> to vector<64x576xf32>
    %div3A_47 = arith.divf %get3A_37, %div3A_46 : vector<64x576xf32>
    %dot_general3A_48 = arith.constant dense<0.000000e+00> : vector<1024x576xf32>
    %dot_general3A_49 = tpu.matmul %div3A_5, %div3A_47, %dot_general3A_48 {dimension_numbers = #tpu.dot_dimension_numbers<[0], [0], [1], [1], [0, 1, 1, 1], [], []>, transpose_lhs_hint = false} : vector<64x1024xf32>, vector<64x576xf32>, vector<1024x576xf32> -> vector<1024x576xf32>
    %iota3A_50 = tpu.iota {dimensions = array<i32: 0>} : vector<1024x576xi32>
    %eq3A_51 = arith.constant 0 : i32
    %eq3A_52 = vector.broadcast %eq3A_51 : i32 to vector<1024x576xi32>
    %eq3A_53 = arith.cmpi eq, %iota3A_50, %eq3A_52 : vector<1024x576xi32>
    %jit3A_54 = arith.constant 0xFF800000 : f32
    %broadcast_in_dim3A_55 = vector.broadcast %jit3A_54 : f32 to vector<1024x576xf32>
    %select_n3A_56 = arith.select %eq3A_53, %broadcast_in_dim3A_55, %dot_general3A_49 : vector<1024x576xi1>, vector<1024x576xf32>
    %reduce_max3A_57 = arith.constant dense<0xFF800000> : vector<576xf32>
    %reduce_max3A_58 = vector.multi_reduction <maximumf>, %select_n3A_56, %reduce_max3A_57 [0] : vector<1024x576xf32> to vector<576xf32>
    %broadcast_in_dim3A_59 = vector.shape_cast %reduce_max3A_58 : vector<576xf32> to vector<1x576xf32>
    %eq3A_60 = vector.broadcast %broadcast_in_dim3A_59 : vector<1x576xf32> to vector<1024x576xf32>
    %eq3A_61 = arith.cmpf oeq, %select_n3A_56, %eq3A_60 : vector<1024x576xf32>
    %jit3A_62 = arith.constant 1024 : i32
    %broadcast_in_dim3A_63 = vector.broadcast %jit3A_62 : i32 to vector<1024x576xi32>
    %select_n3A_64 = arith.select %eq3A_61, %iota3A_50, %broadcast_in_dim3A_63 : vector<1024x576xi1>, vector<1024x576xi32>
    %reduce_min3A_65 = arith.constant dense<2147483647> : vector<576xi32>
    %reduce_min3A_66 = vector.multi_reduction <minsi>, %select_n3A_64, %reduce_min3A_65 [0] : vector<1024x576xi32> to vector<576xi32>
    %get3A_67 = arith.constant 2 : index
    %get3A_68 = arith.constant 0 : index
    %get3A_69 = arith.constant 0 : index
    %get3A_70 = vector.load %arg1[%get3A_67, %get3A_68, %get3A_69] : memref<16x64x576xf32, #tpu.memory_space<vmem>>, vector<1x64x576xf32>
    %get3A_71 = vector.shape_cast %get3A_70 : vector<1x64x576xf32> to vector<64x576xf32>
    %mul3A_72 = arith.mulf %get3A_71, %get3A_71 : vector<64x576xf32>
    %reduce_sum3A_73 = arith.constant dense<0.000000e+00> : vector<576xf32>
    %reduce_sum3A_74 = vector.multi_reduction <add>, %mul3A_72, %reduce_sum3A_73 [0] : vector<64x576xf32> to vector<576xf32>
    %broadcast_in_dim3A_75 = vector.shape_cast %reduce_sum3A_74 : vector<576xf32> to vector<1x576xf32>
    %sqrt3A_76 = math.sqrt %broadcast_in_dim3A_75 : vector<1x576xf32>
    %max3A_77 = arith.constant 9.99999996E-13 : f32
    %max3A_78 = vector.broadcast %max3A_77 : f32 to vector<1x576xf32>
    %max3A_79 = arith.maximumf %sqrt3A_76, %max3A_78 : vector<1x576xf32>
    %div3A_80 = vector.broadcast %max3A_79 : vector<1x576xf32> to vector<64x576xf32>
    %div3A_81 = arith.divf %get3A_71, %div3A_80 : vector<64x576xf32>
    %dot_general3A_82 = arith.constant dense<0.000000e+00> : vector<1024x576xf32>
    %dot_general3A_83 = tpu.matmul %div3A_5, %div3A_81, %dot_general3A_82 {dimension_numbers = #tpu.dot_dimension_numbers<[0], [0], [1], [1], [0, 1, 1, 1], [], []>, transpose_lhs_hint = false} : vector<64x1024xf32>, vector<64x576xf32>, vector<1024x576xf32> -> vector<1024x576xf32>
    %iota3A_84 = tpu.iota {dimensions = array<i32: 0>} : vector<1024x576xi32>
    %eq3A_85 = arith.constant 0 : i32
    %eq3A_86 = vector.broadcast %eq3A_85 : i32 to vector<1024x576xi32>
    %eq3A_87 = arith.cmpi eq, %iota3A_84, %eq3A_86 : vector<1024x576xi32>
    %jit3A_88 = arith.constant 0xFF800000 : f32
    %broadcast_in_dim3A_89 = vector.broadcast %jit3A_88 : f32 to vector<1024x576xf32>
    %select_n3A_90 = arith.select %eq3A_87, %broadcast_in_dim3A_89, %dot_general3A_83 : vector<1024x576xi1>, vector<1024x576xf32>
    %reduce_max3A_91 = arith.constant dense<0xFF800000> : vector<576xf32>
    %reduce_max3A_92 = vector.multi_reduction <maximumf>, %select_n3A_90, %reduce_max3A_91 [0] : vector<1024x576xf32> to vector<576xf32>
    %broadcast_in_dim3A_93 = vector.shape_cast %reduce_max3A_92 : vector<576xf32> to vector<1x576xf32>
    %eq3A_94 = vector.broadcast %broadcast_in_dim3A_93 : vector<1x576xf32> to vector<1024x576xf32>
    %eq3A_95 = arith.cmpf oeq, %select_n3A_90, %eq3A_94 : vector<1024x576xf32>
    %jit3A_96 = arith.constant 1024 : i32
    %broadcast_in_dim3A_97 = vector.broadcast %jit3A_96 : i32 to vector<1024x576xi32>
    %select_n3A_98 = arith.select %eq3A_95, %iota3A_84, %broadcast_in_dim3A_97 : vector<1024x576xi1>, vector<1024x576xi32>
    %reduce_min3A_99 = arith.constant dense<2147483647> : vector<576xi32>
    %reduce_min3A_100 = vector.multi_reduction <minsi>, %select_n3A_98, %reduce_min3A_99 [0] : vector<1024x576xi32> to vector<576xi32>
    %get3A_101 = arith.constant 3 : index
    %get3A_102 = arith.constant 0 : index
    %get3A_103 = arith.constant 0 : index
    %get3A_104 = vector.load %arg1[%get3A_101, %get3A_102, %get3A_103] : memref<16x64x576xf32, #tpu.memory_space<vmem>>, vector<1x64x576xf32>
    %get3A_105 = vector.shape_cast %get3A_104 : vector<1x64x576xf32> to vector<64x576xf32>
    %mul3A_106 = arith.mulf %get3A_105, %get3A_105 : vector<64x576xf32>
    %reduce_sum3A_107 = arith.constant dense<0.000000e+00> : vector<576xf32>
    %reduce_sum3A_108 = vector.multi_reduction <add>, %mul3A_106, %reduce_sum3A_107 [0] : vector<64x576xf32> to vector<576xf32>
    %broadcast_in_dim3A_109 = vector.shape_cast %reduce_sum3A_108 : vector<576xf32> to vector<1x576xf32>
    %sqrt3A_110 = math.sqrt %broadcast_in_dim3A_109 : vector<1x576xf32>
    %max3A_111 = arith.constant 9.99999996E-13 : f32
    %max3A_112 = vector.broadcast %max3A_111 : f32 to vector<1x576xf32>
    %max3A_113 = arith.maximumf %sqrt3A_110, %max3A_112 : vector<1x576xf32>
    %div3A_114 = vector.broadcast %max3A_113 : vector<1x576xf32> to vector<64x576xf32>
    %div3A_115 = arith.divf %get3A_105, %div3A_114 : vector<64x576xf32>
    %dot_general3A_116 = arith.constant dense<0.000000e+00> : vector<1024x576xf32>
    %dot_general3A_117 = tpu.matmul %div3A_5, %div3A_115, %dot_general3A_116 {dimension_numbers = #tpu.dot_dimension_numbers<[0], [0], [1], [1], [0, 1, 1, 1], [], []>, transpose_lhs_hint = false} : vector<64x1024xf32>, vector<64x576xf32>, vector<1024x576xf32> -> vector<1024x576xf32>
    %iota3A_118 = tpu.iota {dimensions = array<i32: 0>} : vector<1024x576xi32>
    %eq3A_119 = arith.constant 0 : i32
    %eq3A_120 = vector.broadcast %eq3A_119 : i32 to vector<1024x576xi32>
    %eq3A_121 = arith.cmpi eq, %iota3A_118, %eq3A_120 : vector<1024x576xi32>
    %jit3A_122 = arith.constant 0xFF800000 : f32
    %broadcast_in_dim3A_123 = vector.broadcast %jit3A_122 : f32 to vector<1024x576xf32>
    %select_n3A_124 = arith.select %eq3A_121, %broadcast_in_dim3A_123, %dot_general3A_117 : vector<1024x576xi1>, vector<1024x576xf32>
    %reduce_max3A_125 = arith.constant dense<0xFF800000> : vector<576xf32>
    %reduce_max3A_126 = vector.multi_reduction <maximumf>, %select_n3A_124, %reduce_max3A_125 [0] : vector<1024x576xf32> to vector<576xf32>
    %broadcast_in_dim3A_127 = vector.shape_cast %reduce_max3A_126 : vector<576xf32> to vector<1x576xf32>
    %eq3A_128 = vector.broadcast %broadcast_in_dim3A_127 : vector<1x576xf32> to vector<1024x576xf32>
    %eq3A_129 = arith.cmpf oeq, %select_n3A_124, %eq3A_128 : vector<1024x576xf32>
    %jit3A_130 = arith.constant 1024 : i32
    %broadcast_in_dim3A_131 = vector.broadcast %jit3A_130 : i32 to vector<1024x576xi32>
    %select_n3A_132 = arith.select %eq3A_129, %iota3A_118, %broadcast_in_dim3A_131 : vector<1024x576xi1>, vector<1024x576xi32>
    %reduce_min3A_133 = arith.constant dense<2147483647> : vector<576xi32>
    %reduce_min3A_134 = vector.multi_reduction <minsi>, %select_n3A_132, %reduce_min3A_133 [0] : vector<1024x576xi32> to vector<576xi32>
    %get3A_135 = arith.constant 4 : index
    %get3A_136 = arith.constant 0 : index
    %get3A_137 = arith.constant 0 : index
    %get3A_138 = vector.load %arg1[%get3A_135, %get3A_136, %get3A_137] : memref<16x64x576xf32, #tpu.memory_space<vmem>>, vector<1x64x576xf32>
    %get3A_139 = vector.shape_cast %get3A_138 : vector<1x64x576xf32> to vector<64x576xf32>
    %mul3A_140 = arith.mulf %get3A_139, %get3A_139 : vector<64x576xf32>
    %reduce_sum3A_141 = arith.constant dense<0.000000e+00> : vector<576xf32>
    %reduce_sum3A_142 = vector.multi_reduction <add>, %mul3A_140, %reduce_sum3A_141 [0] : vector<64x576xf32> to vector<576xf32>
    %broadcast_in_dim3A_143 = vector.shape_cast %reduce_sum3A_142 : vector<576xf32> to vector<1x576xf32>
    %sqrt3A_144 = math.sqrt %broadcast_in_dim3A_143 : vector<1x576xf32>
    %max3A_145 = arith.constant 9.99999996E-13 : f32
    %max3A_146 = vector.broadcast %max3A_145 : f32 to vector<1x576xf32>
    %max3A_147 = arith.maximumf %sqrt3A_144, %max3A_146 : vector<1x576xf32>
    %div3A_148 = vector.broadcast %max3A_147 : vector<1x576xf32> to vector<64x576xf32>
    %div3A_149 = arith.divf %get3A_139, %div3A_148 : vector<64x576xf32>
    %dot_general3A_150 = arith.constant dense<0.000000e+00> : vector<1024x576xf32>
    %dot_general3A_151 = tpu.matmul %div3A_5, %div3A_149, %dot_general3A_150 {dimension_numbers = #tpu.dot_dimension_numbers<[0], [0], [1], [1], [0, 1, 1, 1], [], []>, transpose_lhs_hint = false} : vector<64x1024xf32>, vector<64x576xf32>, vector<1024x576xf32> -> vector<1024x576xf32>
    %iota3A_152 = tpu.iota {dimensions = array<i32: 0>} : vector<1024x576xi32>
    %eq3A_153 = arith.constant 0 : i32
    %eq3A_154 = vector.broadcast %eq3A_153 : i32 to vector<1024x576xi32>
    %eq3A_155 = arith.cmpi eq, %iota3A_152, %eq3A_154 : vector<1024x576xi32>
    %jit3A_156 = arith.constant 0xFF800000 : f32
    %broadcast_in_dim3A_157 = vector.broadcast %jit3A_156 : f32 to vector<1024x576xf32>
    %select_n3A_158 = arith.select %eq3A_155, %broadcast_in_dim3A_157, %dot_general3A_151 : vector<1024x576xi1>, vector<1024x576xf32>
    %reduce_max3A_159 = arith.constant dense<0xFF800000> : vector<576xf32>
    %reduce_max3A_160 = vector.multi_reduction <maximumf>, %select_n3A_158, %reduce_max3A_159 [0] : vector<1024x576xf32> to vector<576xf32>
    %broadcast_in_dim3A_161 = vector.shape_cast %reduce_max3A_160 : vector<576xf32> to vector<1x576xf32>
    %eq3A_162 = vector.broadcast %broadcast_in_dim3A_161 : vector<1x576xf32> to vector<1024x576xf32>
    %eq3A_163 = arith.cmpf oeq, %select_n3A_158, %eq3A_162 : vector<1024x576xf32>
    %jit3A_164 = arith.constant 1024 : i32
    %broadcast_in_dim3A_165 = vector.broadcast %jit3A_164 : i32 to vector<1024x576xi32>
    %select_n3A_166 = arith.select %eq3A_163, %iota3A_152, %broadcast_in_dim3A_165 : vector<1024x576xi1>, vector<1024x576xi32>
    %reduce_min3A_167 = arith.constant dense<2147483647> : vector<576xi32>
    %reduce_min3A_168 = vector.multi_reduction <minsi>, %select_n3A_166, %reduce_min3A_167 [0] : vector<1024x576xi32> to vector<576xi32>
    %get3A_169 = arith.constant 5 : index
    %get3A_170 = arith.constant 0 : index
    %get3A_171 = arith.constant 0 : index
    %get3A_172 = vector.load %arg1[%get3A_169, %get3A_170, %get3A_171] : memref<16x64x576xf32, #tpu.memory_space<vmem>>, vector<1x64x576xf32>
    %get3A_173 = vector.shape_cast %get3A_172 : vector<1x64x576xf32> to vector<64x576xf32>
    %mul3A_174 = arith.mulf %get3A_173, %get3A_173 : vector<64x576xf32>
    %reduce_sum3A_175 = arith.constant dense<0.000000e+00> : vector<576xf32>
    %reduce_sum3A_176 = vector.multi_reduction <add>, %mul3A_174, %reduce_sum3A_175 [0] : vector<64x576xf32> to vector<576xf32>
    %broadcast_in_dim3A_177 = vector.shape_cast %reduce_sum3A_176 : vector<576xf32> to vector<1x576xf32>
    %sqrt3A_178 = math.sqrt %broadcast_in_dim3A_177 : vector<1x576xf32>
    %max3A_179 = arith.constant 9.99999996E-13 : f32
    %max3A_180 = vector.broadcast %max3A_179 : f32 to vector<1x576xf32>
    %max3A_181 = arith.maximumf %sqrt3A_178, %max3A_180 : vector<1x576xf32>
    %div3A_182 = vector.broadcast %max3A_181 : vector<1x576xf32> to vector<64x576xf32>
    %div3A_183 = arith.divf %get3A_173, %div3A_182 : vector<64x576xf32>
    %dot_general3A_184 = arith.constant dense<0.000000e+00> : vector<1024x576xf32>
    %dot_general3A_185 = tpu.matmul %div3A_5, %div3A_183, %dot_general3A_184 {dimension_numbers = #tpu.dot_dimension_numbers<[0], [0], [1], [1], [0, 1, 1, 1], [], []>, transpose_lhs_hint = false} : vector<64x1024xf32>, vector<64x576xf32>, vector<1024x576xf32> -> vector<1024x576xf32>
    %iota3A_186 = tpu.iota {dimensions = array<i32: 0>} : vector<1024x576xi32>
    %eq3A_187 = arith.constant 0 : i32
    %eq3A_188 = vector.broadcast %eq3A_187 : i32 to vector<1024x576xi32>
    %eq3A_189 = arith.cmpi eq, %iota3A_186, %eq3A_188 : vector<1024x576xi32>
    %jit3A_190 = arith.constant 0xFF800000 : f32
    %broadcast_in_dim3A_191 = vector.broadcast %jit3A_190 : f32 to vector<1024x576xf32>
    %select_n3A_192 = arith.select %eq3A_189, %broadcast_in_dim3A_191, %dot_general3A_185 : vector<1024x576xi1>, vector<1024x576xf32>
    %reduce_max3A_193 = arith.constant dense<0xFF800000> : vector<576xf32>
    %reduce_max3A_194 = vector.multi_reduction <maximumf>, %select_n3A_192, %reduce_max3A_193 [0] : vector<1024x576xf32> to vector<576xf32>
    %broadcast_in_dim3A_195 = vector.shape_cast %reduce_max3A_194 : vector<576xf32> to vector<1x576xf32>
    %eq3A_196 = vector.broadcast %broadcast_in_dim3A_195 : vector<1x576xf32> to vector<1024x576xf32>
    %eq3A_197 = arith.cmpf oeq, %select_n3A_192, %eq3A_196 : vector<1024x576xf32>
    %jit3A_198 = arith.constant 1024 : i32
    %broadcast_in_dim3A_199 = vector.broadcast %jit3A_198 : i32 to vector<1024x576xi32>
    %select_n3A_200 = arith.select %eq3A_197, %iota3A_186, %broadcast_in_dim3A_199 : vector<1024x576xi1>, vector<1024x576xi32>
    %reduce_min3A_201 = arith.constant dense<2147483647> : vector<576xi32>
    %reduce_min3A_202 = vector.multi_reduction <minsi>, %select_n3A_200, %reduce_min3A_201 [0] : vector<1024x576xi32> to vector<576xi32>
    %get3A_203 = arith.constant 6 : index
    %get3A_204 = arith.constant 0 : index
    %get3A_205 = arith.constant 0 : index
    %get3A_206 = vector.load %arg1[%get3A_203, %get3A_204, %get3A_205] : memref<16x64x576xf32, #tpu.memory_space<vmem>>, vector<1x64x576xf32>
    %get3A_207 = vector.shape_cast %get3A_206 : vector<1x64x576xf32> to vector<64x576xf32>
    %mul3A_208 = arith.mulf %get3A_207, %get3A_207 : vector<64x576xf32>
    %reduce_sum3A_209 = arith.constant dense<0.000000e+00> : vector<576xf32>
    %reduce_sum3A_210 = vector.multi_reduction <add>, %mul3A_208, %reduce_sum3A_209 [0] : vector<64x576xf32> to vector<576xf32>
    %broadcast_in_dim3A_211 = vector.shape_cast %reduce_sum3A_210 : vector<576xf32> to vector<1x576xf32>
    %sqrt3A_212 = math.sqrt %broadcast_in_dim3A_211 : vector<1x576xf32>
    %max3A_213 = arith.constant 9.99999996E-13 : f32
    %max3A_214 = vector.broadcast %max3A_213 : f32 to vector<1x576xf32>
    %max3A_215 = arith.maximumf %sqrt3A_212, %max3A_214 : vector<1x576xf32>
    %div3A_216 = vector.broadcast %max3A_215 : vector<1x576xf32> to vector<64x576xf32>
    %div3A_217 = arith.divf %get3A_207, %div3A_216 : vector<64x576xf32>
    %dot_general3A_218 = arith.constant dense<0.000000e+00> : vector<1024x576xf32>
    %dot_general3A_219 = tpu.matmul %div3A_5, %div3A_217, %dot_general3A_218 {dimension_numbers = #tpu.dot_dimension_numbers<[0], [0], [1], [1], [0, 1, 1, 1], [], []>, transpose_lhs_hint = false} : vector<64x1024xf32>, vector<64x576xf32>, vector<1024x576xf32> -> vector<1024x576xf32>
    %iota3A_220 = tpu.iota {dimensions = array<i32: 0>} : vector<1024x576xi32>
    %eq3A_221 = arith.constant 0 : i32
    %eq3A_222 = vector.broadcast %eq3A_221 : i32 to vector<1024x576xi32>
    %eq3A_223 = arith.cmpi eq, %iota3A_220, %eq3A_222 : vector<1024x576xi32>
    %jit3A_224 = arith.constant 0xFF800000 : f32
    %broadcast_in_dim3A_225 = vector.broadcast %jit3A_224 : f32 to vector<1024x576xf32>
    %select_n3A_226 = arith.select %eq3A_223, %broadcast_in_dim3A_225, %dot_general3A_219 : vector<1024x576xi1>, vector<1024x576xf32>
    %reduce_max3A_227 = arith.constant dense<0xFF800000> : vector<576xf32>
    %reduce_max3A_228 = vector.multi_reduction <maximumf>, %select_n3A_226, %reduce_max3A_227 [0] : vector<1024x576xf32> to vector<576xf32>
    %broadcast_in_dim3A_229 = vector.shape_cast %reduce_max3A_228 : vector<576xf32> to vector<1x576xf32>
    %eq3A_230 = vector.broadcast %broadcast_in_dim3A_229 : vector<1x576xf32> to vector<1024x576xf32>
    %eq3A_231 = arith.cmpf oeq, %select_n3A_226, %eq3A_230 : vector<1024x576xf32>
    %jit3A_232 = arith.constant 1024 : i32
    %broadcast_in_dim3A_233 = vector.broadcast %jit3A_232 : i32 to vector<1024x576xi32>
    %select_n3A_234 = arith.select %eq3A_231, %iota3A_220, %broadcast_in_dim3A_233 : vector<1024x576xi1>, vector<1024x576xi32>
    %reduce_min3A_235 = arith.constant dense<2147483647> : vector<576xi32>
    %reduce_min3A_236 = vector.multi_reduction <minsi>, %select_n3A_234, %reduce_min3A_235 [0] : vector<1024x576xi32> to vector<576xi32>
    %get3A_237 = arith.constant 7 : index
    %get3A_238 = arith.constant 0 : index
    %get3A_239 = arith.constant 0 : index
    %get3A_240 = vector.load %arg1[%get3A_237, %get3A_238, %get3A_239] : memref<16x64x576xf32, #tpu.memory_space<vmem>>, vector<1x64x576xf32>
    %get3A_241 = vector.shape_cast %get3A_240 : vector<1x64x576xf32> to vector<64x576xf32>
    %mul3A_242 = arith.mulf %get3A_241, %get3A_241 : vector<64x576xf32>
    %reduce_sum3A_243 = arith.constant dense<0.000000e+00> : vector<576xf32>
    %reduce_sum3A_244 = vector.multi_reduction <add>, %mul3A_242, %reduce_sum3A_243 [0] : vector<64x576xf32> to vector<576xf32>
    %broadcast_in_dim3A_245 = vector.shape_cast %reduce_sum3A_244 : vector<576xf32> to vector<1x576xf32>
    %sqrt3A_246 = math.sqrt %broadcast_in_dim3A_245 : vector<1x576xf32>
    %max3A_247 = arith.constant 9.99999996E-13 : f32
    %max3A_248 = vector.broadcast %max3A_247 : f32 to vector<1x576xf32>
    %max3A_249 = arith.maximumf %sqrt3A_246, %max3A_248 : vector<1x576xf32>
    %div3A_250 = vector.broadcast %max3A_249 : vector<1x576xf32> to vector<64x576xf32>
    %div3A_251 = arith.divf %get3A_241, %div3A_250 : vector<64x576xf32>
    %dot_general3A_252 = arith.constant dense<0.000000e+00> : vector<1024x576xf32>
    %dot_general3A_253 = tpu.matmul %div3A_5, %div3A_251, %dot_general3A_252 {dimension_numbers = #tpu.dot_dimension_numbers<[0], [0], [1], [1], [0, 1, 1, 1], [], []>, transpose_lhs_hint = false} : vector<64x1024xf32>, vector<64x576xf32>, vector<1024x576xf32> -> vector<1024x576xf32>
    %iota3A_254 = tpu.iota {dimensions = array<i32: 0>} : vector<1024x576xi32>
    %eq3A_255 = arith.constant 0 : i32
    %eq3A_256 = vector.broadcast %eq3A_255 : i32 to vector<1024x576xi32>
    %eq3A_257 = arith.cmpi eq, %iota3A_254, %eq3A_256 : vector<1024x576xi32>
    %jit3A_258 = arith.constant 0xFF800000 : f32
    %broadcast_in_dim3A_259 = vector.broadcast %jit3A_258 : f32 to vector<1024x576xf32>
    %select_n3A_260 = arith.select %eq3A_257, %broadcast_in_dim3A_259, %dot_general3A_253 : vector<1024x576xi1>, vector<1024x576xf32>
    %reduce_max3A_261 = arith.constant dense<0xFF800000> : vector<576xf32>
    %reduce_max3A_262 = vector.multi_reduction <maximumf>, %select_n3A_260, %reduce_max3A_261 [0] : vector<1024x576xf32> to vector<576xf32>
    %broadcast_in_dim3A_263 = vector.shape_cast %reduce_max3A_262 : vector<576xf32> to vector<1x576xf32>
    %eq3A_264 = vector.broadcast %broadcast_in_dim3A_263 : vector<1x576xf32> to vector<1024x576xf32>
    %eq3A_265 = arith.cmpf oeq, %select_n3A_260, %eq3A_264 : vector<1024x576xf32>
    %jit3A_266 = arith.constant 1024 : i32
    %broadcast_in_dim3A_267 = vector.broadcast %jit3A_266 : i32 to vector<1024x576xi32>
    %select_n3A_268 = arith.select %eq3A_265, %iota3A_254, %broadcast_in_dim3A_267 : vector<1024x576xi1>, vector<1024x576xi32>
    %reduce_min3A_269 = arith.constant dense<2147483647> : vector<576xi32>
    %reduce_min3A_270 = vector.multi_reduction <minsi>, %select_n3A_268, %reduce_min3A_269 [0] : vector<1024x576xi32> to vector<576xi32>
    %get3A_271 = arith.constant 8 : index
    %get3A_272 = arith.constant 0 : index
    %get3A_273 = arith.constant 0 : index
    %get3A_274 = vector.load %arg1[%get3A_271, %get3A_272, %get3A_273] : memref<16x64x576xf32, #tpu.memory_space<vmem>>, vector<1x64x576xf32>
    %get3A_275 = vector.shape_cast %get3A_274 : vector<1x64x576xf32> to vector<64x576xf32>
    %mul3A_276 = arith.mulf %get3A_275, %get3A_275 : vector<64x576xf32>
    %reduce_sum3A_277 = arith.constant dense<0.000000e+00> : vector<576xf32>
    %reduce_sum3A_278 = vector.multi_reduction <add>, %mul3A_276, %reduce_sum3A_277 [0] : vector<64x576xf32> to vector<576xf32>
    %broadcast_in_dim3A_279 = vector.shape_cast %reduce_sum3A_278 : vector<576xf32> to vector<1x576xf32>
    %sqrt3A_280 = math.sqrt %broadcast_in_dim3A_279 : vector<1x576xf32>
    %max3A_281 = arith.constant 9.99999996E-13 : f32
    %max3A_282 = vector.broadcast %max3A_281 : f32 to vector<1x576xf32>
    %max3A_283 = arith.maximumf %sqrt3A_280, %max3A_282 : vector<1x576xf32>
    %div3A_284 = vector.broadcast %max3A_283 : vector<1x576xf32> to vector<64x576xf32>
    %div3A_285 = arith.divf %get3A_275, %div3A_284 : vector<64x576xf32>
    %dot_general3A_286 = arith.constant dense<0.000000e+00> : vector<1024x576xf32>
    %dot_general3A_287 = tpu.matmul %div3A_5, %div3A_285, %dot_general3A_286 {dimension_numbers = #tpu.dot_dimension_numbers<[0], [0], [1], [1], [0, 1, 1, 1], [], []>, transpose_lhs_hint = false} : vector<64x1024xf32>, vector<64x576xf32>, vector<1024x576xf32> -> vector<1024x576xf32>
    %iota3A_288 = tpu.iota {dimensions = array<i32: 0>} : vector<1024x576xi32>
    %eq3A_289 = arith.constant 0 : i32
    %eq3A_290 = vector.broadcast %eq3A_289 : i32 to vector<1024x576xi32>
    %eq3A_291 = arith.cmpi eq, %iota3A_288, %eq3A_290 : vector<1024x576xi32>
    %jit3A_292 = arith.constant 0xFF800000 : f32
    %broadcast_in_dim3A_293 = vector.broadcast %jit3A_292 : f32 to vector<1024x576xf32>
    %select_n3A_294 = arith.select %eq3A_291, %broadcast_in_dim3A_293, %dot_general3A_287 : vector<1024x576xi1>, vector<1024x576xf32>
    %reduce_max3A_295 = arith.constant dense<0xFF800000> : vector<576xf32>
    %reduce_max3A_296 = vector.multi_reduction <maximumf>, %select_n3A_294, %reduce_max3A_295 [0] : vector<1024x576xf32> to vector<576xf32>
    %broadcast_in_dim3A_297 = vector.shape_cast %reduce_max3A_296 : vector<576xf32> to vector<1x576xf32>
    %eq3A_298 = vector.broadcast %broadcast_in_dim3A_297 : vector<1x576xf32> to vector<1024x576xf32>
    %eq3A_299 = arith.cmpf oeq, %select_n3A_294, %eq3A_298 : vector<1024x576xf32>
    %jit3A_300 = arith.constant 1024 : i32
    %broadcast_in_dim3A_301 = vector.broadcast %jit3A_300 : i32 to vector<1024x576xi32>
    %select_n3A_302 = arith.select %eq3A_299, %iota3A_288, %broadcast_in_dim3A_301 : vector<1024x576xi1>, vector<1024x576xi32>
    %reduce_min3A_303 = arith.constant dense<2147483647> : vector<576xi32>
    %reduce_min3A_304 = vector.multi_reduction <minsi>, %select_n3A_302, %reduce_min3A_303 [0] : vector<1024x576xi32> to vector<576xi32>
    %get3A_305 = arith.constant 9 : index
    %get3A_306 = arith.constant 0 : index
    %get3A_307 = arith.constant 0 : index
    %get3A_308 = vector.load %arg1[%get3A_305, %get3A_306, %get3A_307] : memref<16x64x576xf32, #tpu.memory_space<vmem>>, vector<1x64x576xf32>
    %get3A_309 = vector.shape_cast %get3A_308 : vector<1x64x576xf32> to vector<64x576xf32>
    %mul3A_310 = arith.mulf %get3A_309, %get3A_309 : vector<64x576xf32>
    %reduce_sum3A_311 = arith.constant dense<0.000000e+00> : vector<576xf32>
    %reduce_sum3A_312 = vector.multi_reduction <add>, %mul3A_310, %reduce_sum3A_311 [0] : vector<64x576xf32> to vector<576xf32>
    %broadcast_in_dim3A_313 = vector.shape_cast %reduce_sum3A_312 : vector<576xf32> to vector<1x576xf32>
    %sqrt3A_314 = math.sqrt %broadcast_in_dim3A_313 : vector<1x576xf32>
    %max3A_315 = arith.constant 9.99999996E-13 : f32
    %max3A_316 = vector.broadcast %max3A_315 : f32 to vector<1x576xf32>
    %max3A_317 = arith.maximumf %sqrt3A_314, %max3A_316 : vector<1x576xf32>
    %div3A_318 = vector.broadcast %max3A_317 : vector<1x576xf32> to vector<64x576xf32>
    %div3A_319 = arith.divf %get3A_309, %div3A_318 : vector<64x576xf32>
    %dot_general3A_320 = arith.constant dense<0.000000e+00> : vector<1024x576xf32>
    %dot_general3A_321 = tpu.matmul %div3A_5, %div3A_319, %dot_general3A_320 {dimension_numbers = #tpu.dot_dimension_numbers<[0], [0], [1], [1], [0, 1, 1, 1], [], []>, transpose_lhs_hint = false} : vector<64x1024xf32>, vector<64x576xf32>, vector<1024x576xf32> -> vector<1024x576xf32>
    %iota3A_322 = tpu.iota {dimensions = array<i32: 0>} : vector<1024x576xi32>
    %eq3A_323 = arith.constant 0 : i32
    %eq3A_324 = vector.broadcast %eq3A_323 : i32 to vector<1024x576xi32>
    %eq3A_325 = arith.cmpi eq, %iota3A_322, %eq3A_324 : vector<1024x576xi32>
    %jit3A_326 = arith.constant 0xFF800000 : f32
    %broadcast_in_dim3A_327 = vector.broadcast %jit3A_326 : f32 to vector<1024x576xf32>
    %select_n3A_328 = arith.select %eq3A_325, %broadcast_in_dim3A_327, %dot_general3A_321 : vector<1024x576xi1>, vector<1024x576xf32>
    %reduce_max3A_329 = arith.constant dense<0xFF800000> : vector<576xf32>
    %reduce_max3A_330 = vector.multi_reduction <maximumf>, %select_n3A_328, %reduce_max3A_329 [0] : vector<1024x576xf32> to vector<576xf32>
    %broadcast_in_dim3A_331 = vector.shape_cast %reduce_max3A_330 : vector<576xf32> to vector<1x576xf32>
    %eq3A_332 = vector.broadcast %broadcast_in_dim3A_331 : vector<1x576xf32> to vector<1024x576xf32>
    %eq3A_333 = arith.cmpf oeq, %select_n3A_328, %eq3A_332 : vector<1024x576xf32>
    %jit3A_334 = arith.constant 1024 : i32
    %broadcast_in_dim3A_335 = vector.broadcast %jit3A_334 : i32 to vector<1024x576xi32>
    %select_n3A_336 = arith.select %eq3A_333, %iota3A_322, %broadcast_in_dim3A_335 : vector<1024x576xi1>, vector<1024x576xi32>
    %reduce_min3A_337 = arith.constant dense<2147483647> : vector<576xi32>
    %reduce_min3A_338 = vector.multi_reduction <minsi>, %select_n3A_336, %reduce_min3A_337 [0] : vector<1024x576xi32> to vector<576xi32>
    %get3A_339 = arith.constant 10 : index
    %get3A_340 = arith.constant 0 : index
    %get3A_341 = arith.constant 0 : index
    %get3A_342 = vector.load %arg1[%get3A_339, %get3A_340, %get3A_341] : memref<16x64x576xf32, #tpu.memory_space<vmem>>, vector<1x64x576xf32>
    %get3A_343 = vector.shape_cast %get3A_342 : vector<1x64x576xf32> to vector<64x576xf32>
    %mul3A_344 = arith.mulf %get3A_343, %get3A_343 : vector<64x576xf32>
    %reduce_sum3A_345 = arith.constant dense<0.000000e+00> : vector<576xf32>
    %reduce_sum3A_346 = vector.multi_reduction <add>, %mul3A_344, %reduce_sum3A_345 [0] : vector<64x576xf32> to vector<576xf32>
    %broadcast_in_dim3A_347 = vector.shape_cast %reduce_sum3A_346 : vector<576xf32> to vector<1x576xf32>
    %sqrt3A_348 = math.sqrt %broadcast_in_dim3A_347 : vector<1x576xf32>
    %max3A_349 = arith.constant 9.99999996E-13 : f32
    %max3A_350 = vector.broadcast %max3A_349 : f32 to vector<1x576xf32>
    %max3A_351 = arith.maximumf %sqrt3A_348, %max3A_350 : vector<1x576xf32>
    %div3A_352 = vector.broadcast %max3A_351 : vector<1x576xf32> to vector<64x576xf32>
    %div3A_353 = arith.divf %get3A_343, %div3A_352 : vector<64x576xf32>
    %dot_general3A_354 = arith.constant dense<0.000000e+00> : vector<1024x576xf32>
    %dot_general3A_355 = tpu.matmul %div3A_5, %div3A_353, %dot_general3A_354 {dimension_numbers = #tpu.dot_dimension_numbers<[0], [0], [1], [1], [0, 1, 1, 1], [], []>, transpose_lhs_hint = false} : vector<64x1024xf32>, vector<64x576xf32>, vector<1024x576xf32> -> vector<1024x576xf32>
    %iota3A_356 = tpu.iota {dimensions = array<i32: 0>} : vector<1024x576xi32>
    %eq3A_357 = arith.constant 0 : i32
    %eq3A_358 = vector.broadcast %eq3A_357 : i32 to vector<1024x576xi32>
    %eq3A_359 = arith.cmpi eq, %iota3A_356, %eq3A_358 : vector<1024x576xi32>
    %jit3A_360 = arith.constant 0xFF800000 : f32
    %broadcast_in_dim3A_361 = vector.broadcast %jit3A_360 : f32 to vector<1024x576xf32>
    %select_n3A_362 = arith.select %eq3A_359, %broadcast_in_dim3A_361, %dot_general3A_355 : vector<1024x576xi1>, vector<1024x576xf32>
    %reduce_max3A_363 = arith.constant dense<0xFF800000> : vector<576xf32>
    %reduce_max3A_364 = vector.multi_reduction <maximumf>, %select_n3A_362, %reduce_max3A_363 [0] : vector<1024x576xf32> to vector<576xf32>
    %broadcast_in_dim3A_365 = vector.shape_cast %reduce_max3A_364 : vector<576xf32> to vector<1x576xf32>
    %eq3A_366 = vector.broadcast %broadcast_in_dim3A_365 : vector<1x576xf32> to vector<1024x576xf32>
    %eq3A_367 = arith.cmpf oeq, %select_n3A_362, %eq3A_366 : vector<1024x576xf32>
    %jit3A_368 = arith.constant 1024 : i32
    %broadcast_in_dim3A_369 = vector.broadcast %jit3A_368 : i32 to vector<1024x576xi32>
    %select_n3A_370 = arith.select %eq3A_367, %iota3A_356, %broadcast_in_dim3A_369 : vector<1024x576xi1>, vector<1024x576xi32>
    %reduce_min3A_371 = arith.constant dense<2147483647> : vector<576xi32>
    %reduce_min3A_372 = vector.multi_reduction <minsi>, %select_n3A_370, %reduce_min3A_371 [0] : vector<1024x576xi32> to vector<576xi32>
    %get3A_373 = arith.constant 11 : index
    %get3A_374 = arith.constant 0 : index
    %get3A_375 = arith.constant 0 : index
    %get3A_376 = vector.load %arg1[%get3A_373, %get3A_374, %get3A_375] : memref<16x64x576xf32, #tpu.memory_space<vmem>>, vector<1x64x576xf32>
    %get3A_377 = vector.shape_cast %get3A_376 : vector<1x64x576xf32> to vector<64x576xf32>
    %mul3A_378 = arith.mulf %get3A_377, %get3A_377 : vector<64x576xf32>
    %reduce_sum3A_379 = arith.constant dense<0.000000e+00> : vector<576xf32>
    %reduce_sum3A_380 = vector.multi_reduction <add>, %mul3A_378, %reduce_sum3A_379 [0] : vector<64x576xf32> to vector<576xf32>
    %broadcast_in_dim3A_381 = vector.shape_cast %reduce_sum3A_380 : vector<576xf32> to vector<1x576xf32>
    %sqrt3A_382 = math.sqrt %broadcast_in_dim3A_381 : vector<1x576xf32>
    %max3A_383 = arith.constant 9.99999996E-13 : f32
    %max3A_384 = vector.broadcast %max3A_383 : f32 to vector<1x576xf32>
    %max3A_385 = arith.maximumf %sqrt3A_382, %max3A_384 : vector<1x576xf32>
    %div3A_386 = vector.broadcast %max3A_385 : vector<1x576xf32> to vector<64x576xf32>
    %div3A_387 = arith.divf %get3A_377, %div3A_386 : vector<64x576xf32>
    %dot_general3A_388 = arith.constant dense<0.000000e+00> : vector<1024x576xf32>
    %dot_general3A_389 = tpu.matmul %div3A_5, %div3A_387, %dot_general3A_388 {dimension_numbers = #tpu.dot_dimension_numbers<[0], [0], [1], [1], [0, 1, 1, 1], [], []>, transpose_lhs_hint = false} : vector<64x1024xf32>, vector<64x576xf32>, vector<1024x576xf32> -> vector<1024x576xf32>
    %iota3A_390 = tpu.iota {dimensions = array<i32: 0>} : vector<1024x576xi32>
    %eq3A_391 = arith.constant 0 : i32
    %eq3A_392 = vector.broadcast %eq3A_391 : i32 to vector<1024x576xi32>
    %eq3A_393 = arith.cmpi eq, %iota3A_390, %eq3A_392 : vector<1024x576xi32>
    %jit3A_394 = arith.constant 0xFF800000 : f32
    %broadcast_in_dim3A_395 = vector.broadcast %jit3A_394 : f32 to vector<1024x576xf32>
    %select_n3A_396 = arith.select %eq3A_393, %broadcast_in_dim3A_395, %dot_general3A_389 : vector<1024x576xi1>, vector<1024x576xf32>
    %reduce_max3A_397 = arith.constant dense<0xFF800000> : vector<576xf32>
    %reduce_max3A_398 = vector.multi_reduction <maximumf>, %select_n3A_396, %reduce_max3A_397 [0] : vector<1024x576xf32> to vector<576xf32>
    %broadcast_in_dim3A_399 = vector.shape_cast %reduce_max3A_398 : vector<576xf32> to vector<1x576xf32>
    %eq3A_400 = vector.broadcast %broadcast_in_dim3A_399 : vector<1x576xf32> to vector<1024x576xf32>
    %eq3A_401 = arith.cmpf oeq, %select_n3A_396, %eq3A_400 : vector<1024x576xf32>
    %jit3A_402 = arith.constant 1024 : i32
    %broadcast_in_dim3A_403 = vector.broadcast %jit3A_402 : i32 to vector<1024x576xi32>
    %select_n3A_404 = arith.select %eq3A_401, %iota3A_390, %broadcast_in_dim3A_403 : vector<1024x576xi1>, vector<1024x576xi32>
    %reduce_min3A_405 = arith.constant dense<2147483647> : vector<576xi32>
    %reduce_min3A_406 = vector.multi_reduction <minsi>, %select_n3A_404, %reduce_min3A_405 [0] : vector<1024x576xi32> to vector<576xi32>
    %get3A_407 = arith.constant 12 : index
    %get3A_408 = arith.constant 0 : index
    %get3A_409 = arith.constant 0 : index
    %get3A_410 = vector.load %arg1[%get3A_407, %get3A_408, %get3A_409] : memref<16x64x576xf32, #tpu.memory_space<vmem>>, vector<1x64x576xf32>
    %get3A_411 = vector.shape_cast %get3A_410 : vector<1x64x576xf32> to vector<64x576xf32>
    %mul3A_412 = arith.mulf %get3A_411, %get3A_411 : vector<64x576xf32>
    %reduce_sum3A_413 = arith.constant dense<0.000000e+00> : vector<576xf32>
    %reduce_sum3A_414 = vector.multi_reduction <add>, %mul3A_412, %reduce_sum3A_413 [0] : vector<64x576xf32> to vector<576xf32>
    %broadcast_in_dim3A_415 = vector.shape_cast %reduce_sum3A_414 : vector<576xf32> to vector<1x576xf32>
    %sqrt3A_416 = math.sqrt %broadcast_in_dim3A_415 : vector<1x576xf32>
    %max3A_417 = arith.constant 9.99999996E-13 : f32
    %max3A_418 = vector.broadcast %max3A_417 : f32 to vector<1x576xf32>
    %max3A_419 = arith.maximumf %sqrt3A_416, %max3A_418 : vector<1x576xf32>
    %div3A_420 = vector.broadcast %max3A_419 : vector<1x576xf32> to vector<64x576xf32>
    %div3A_421 = arith.divf %get3A_411, %div3A_420 : vector<64x576xf32>
    %dot_general3A_422 = arith.constant dense<0.000000e+00> : vector<1024x576xf32>
    %dot_general3A_423 = tpu.matmul %div3A_5, %div3A_421, %dot_general3A_422 {dimension_numbers = #tpu.dot_dimension_numbers<[0], [0], [1], [1], [0, 1, 1, 1], [], []>, transpose_lhs_hint = false} : vector<64x1024xf32>, vector<64x576xf32>, vector<1024x576xf32> -> vector<1024x576xf32>
    %iota3A_424 = tpu.iota {dimensions = array<i32: 0>} : vector<1024x576xi32>
    %eq3A_425 = arith.constant 0 : i32
    %eq3A_426 = vector.broadcast %eq3A_425 : i32 to vector<1024x576xi32>
    %eq3A_427 = arith.cmpi eq, %iota3A_424, %eq3A_426 : vector<1024x576xi32>
    %jit3A_428 = arith.constant 0xFF800000 : f32
    %broadcast_in_dim3A_429 = vector.broadcast %jit3A_428 : f32 to vector<1024x576xf32>
    %select_n3A_430 = arith.select %eq3A_427, %broadcast_in_dim3A_429, %dot_general3A_423 : vector<1024x576xi1>, vector<1024x576xf32>
    %reduce_max3A_431 = arith.constant dense<0xFF800000> : vector<576xf32>
    %reduce_max3A_432 = vector.multi_reduction <maximumf>, %select_n3A_430, %reduce_max3A_431 [0] : vector<1024x576xf32> to vector<576xf32>
    %broadcast_in_dim3A_433 = vector.shape_cast %reduce_max3A_432 : vector<576xf32> to vector<1x576xf32>
    %eq3A_434 = vector.broadcast %broadcast_in_dim3A_433 : vector<1x576xf32> to vector<1024x576xf32>
    %eq3A_435 = arith.cmpf oeq, %select_n3A_430, %eq3A_434 : vector<1024x576xf32>
    %jit3A_436 = arith.constant 1024 : i32
    %broadcast_in_dim3A_437 = vector.broadcast %jit3A_436 : i32 to vector<1024x576xi32>
    %select_n3A_438 = arith.select %eq3A_435, %iota3A_424, %broadcast_in_dim3A_437 : vector<1024x576xi1>, vector<1024x576xi32>
    %reduce_min3A_439 = arith.constant dense<2147483647> : vector<576xi32>
    %reduce_min3A_440 = vector.multi_reduction <minsi>, %select_n3A_438, %reduce_min3A_439 [0] : vector<1024x576xi32> to vector<576xi32>
    %get3A_441 = arith.constant 13 : index
    %get3A_442 = arith.constant 0 : index
    %get3A_443 = arith.constant 0 : index
    %get3A_444 = vector.load %arg1[%get3A_441, %get3A_442, %get3A_443] : memref<16x64x576xf32, #tpu.memory_space<vmem>>, vector<1x64x576xf32>
    %get3A_445 = vector.shape_cast %get3A_444 : vector<1x64x576xf32> to vector<64x576xf32>
    %mul3A_446 = arith.mulf %get3A_445, %get3A_445 : vector<64x576xf32>
    %reduce_sum3A_447 = arith.constant dense<0.000000e+00> : vector<576xf32>
    %reduce_sum3A_448 = vector.multi_reduction <add>, %mul3A_446, %reduce_sum3A_447 [0] : vector<64x576xf32> to vector<576xf32>
    %broadcast_in_dim3A_449 = vector.shape_cast %reduce_sum3A_448 : vector<576xf32> to vector<1x576xf32>
    %sqrt3A_450 = math.sqrt %broadcast_in_dim3A_449 : vector<1x576xf32>
    %max3A_451 = arith.constant 9.99999996E-13 : f32
    %max3A_452 = vector.broadcast %max3A_451 : f32 to vector<1x576xf32>
    %max3A_453 = arith.maximumf %sqrt3A_450, %max3A_452 : vector<1x576xf32>
    %div3A_454 = vector.broadcast %max3A_453 : vector<1x576xf32> to vector<64x576xf32>
    %div3A_455 = arith.divf %get3A_445, %div3A_454 : vector<64x576xf32>
    %dot_general3A_456 = arith.constant dense<0.000000e+00> : vector<1024x576xf32>
    %dot_general3A_457 = tpu.matmul %div3A_5, %div3A_455, %dot_general3A_456 {dimension_numbers = #tpu.dot_dimension_numbers<[0], [0], [1], [1], [0, 1, 1, 1], [], []>, transpose_lhs_hint = false} : vector<64x1024xf32>, vector<64x576xf32>, vector<1024x576xf32> -> vector<1024x576xf32>
    %iota3A_458 = tpu.iota {dimensions = array<i32: 0>} : vector<1024x576xi32>
    %eq3A_459 = arith.constant 0 : i32
    %eq3A_460 = vector.broadcast %eq3A_459 : i32 to vector<1024x576xi32>
    %eq3A_461 = arith.cmpi eq, %iota3A_458, %eq3A_460 : vector<1024x576xi32>
    %jit3A_462 = arith.constant 0xFF800000 : f32
    %broadcast_in_dim3A_463 = vector.broadcast %jit3A_462 : f32 to vector<1024x576xf32>
    %select_n3A_464 = arith.select %eq3A_461, %broadcast_in_dim3A_463, %dot_general3A_457 : vector<1024x576xi1>, vector<1024x576xf32>
    %reduce_max3A_465 = arith.constant dense<0xFF800000> : vector<576xf32>
    %reduce_max3A_466 = vector.multi_reduction <maximumf>, %select_n3A_464, %reduce_max3A_465 [0] : vector<1024x576xf32> to vector<576xf32>
    %broadcast_in_dim3A_467 = vector.shape_cast %reduce_max3A_466 : vector<576xf32> to vector<1x576xf32>
    %eq3A_468 = vector.broadcast %broadcast_in_dim3A_467 : vector<1x576xf32> to vector<1024x576xf32>
    %eq3A_469 = arith.cmpf oeq, %select_n3A_464, %eq3A_468 : vector<1024x576xf32>
    %jit3A_470 = arith.constant 1024 : i32
    %broadcast_in_dim3A_471 = vector.broadcast %jit3A_470 : i32 to vector<1024x576xi32>
    %select_n3A_472 = arith.select %eq3A_469, %iota3A_458, %broadcast_in_dim3A_471 : vector<1024x576xi1>, vector<1024x576xi32>
    %reduce_min3A_473 = arith.constant dense<2147483647> : vector<576xi32>
    %reduce_min3A_474 = vector.multi_reduction <minsi>, %select_n3A_472, %reduce_min3A_473 [0] : vector<1024x576xi32> to vector<576xi32>
    %get3A_475 = arith.constant 14 : index
    %get3A_476 = arith.constant 0 : index
    %get3A_477 = arith.constant 0 : index
    %get3A_478 = vector.load %arg1[%get3A_475, %get3A_476, %get3A_477] : memref<16x64x576xf32, #tpu.memory_space<vmem>>, vector<1x64x576xf32>
    %get3A_479 = vector.shape_cast %get3A_478 : vector<1x64x576xf32> to vector<64x576xf32>
    %mul3A_480 = arith.mulf %get3A_479, %get3A_479 : vector<64x576xf32>
    %reduce_sum3A_481 = arith.constant dense<0.000000e+00> : vector<576xf32>
    %reduce_sum3A_482 = vector.multi_reduction <add>, %mul3A_480, %reduce_sum3A_481 [0] : vector<64x576xf32> to vector<576xf32>
    %broadcast_in_dim3A_483 = vector.shape_cast %reduce_sum3A_482 : vector<576xf32> to vector<1x576xf32>
    %sqrt3A_484 = math.sqrt %broadcast_in_dim3A_483 : vector<1x576xf32>
    %max3A_485 = arith.constant 9.99999996E-13 : f32
    %max3A_486 = vector.broadcast %max3A_485 : f32 to vector<1x576xf32>
    %max3A_487 = arith.maximumf %sqrt3A_484, %max3A_486 : vector<1x576xf32>
    %div3A_488 = vector.broadcast %max3A_487 : vector<1x576xf32> to vector<64x576xf32>
    %div3A_489 = arith.divf %get3A_479, %div3A_488 : vector<64x576xf32>
    %dot_general3A_490 = arith.constant dense<0.000000e+00> : vector<1024x576xf32>
    %dot_general3A_491 = tpu.matmul %div3A_5, %div3A_489, %dot_general3A_490 {dimension_numbers = #tpu.dot_dimension_numbers<[0], [0], [1], [1], [0, 1, 1, 1], [], []>, transpose_lhs_hint = false} : vector<64x1024xf32>, vector<64x576xf32>, vector<1024x576xf32> -> vector<1024x576xf32>
    %iota3A_492 = tpu.iota {dimensions = array<i32: 0>} : vector<1024x576xi32>
    %eq3A_493 = arith.constant 0 : i32
    %eq3A_494 = vector.broadcast %eq3A_493 : i32 to vector<1024x576xi32>
    %eq3A_495 = arith.cmpi eq, %iota3A_492, %eq3A_494 : vector<1024x576xi32>
    %jit3A_496 = arith.constant 0xFF800000 : f32
    %broadcast_in_dim3A_497 = vector.broadcast %jit3A_496 : f32 to vector<1024x576xf32>
    %select_n3A_498 = arith.select %eq3A_495, %broadcast_in_dim3A_497, %dot_general3A_491 : vector<1024x576xi1>, vector<1024x576xf32>
    %reduce_max3A_499 = arith.constant dense<0xFF800000> : vector<576xf32>
    %reduce_max3A_500 = vector.multi_reduction <maximumf>, %select_n3A_498, %reduce_max3A_499 [0] : vector<1024x576xf32> to vector<576xf32>
    %broadcast_in_dim3A_501 = vector.shape_cast %reduce_max3A_500 : vector<576xf32> to vector<1x576xf32>
    %eq3A_502 = vector.broadcast %broadcast_in_dim3A_501 : vector<1x576xf32> to vector<1024x576xf32>
    %eq3A_503 = arith.cmpf oeq, %select_n3A_498, %eq3A_502 : vector<1024x576xf32>
    %jit3A_504 = arith.constant 1024 : i32
    %broadcast_in_dim3A_505 = vector.broadcast %jit3A_504 : i32 to vector<1024x576xi32>
    %select_n3A_506 = arith.select %eq3A_503, %iota3A_492, %broadcast_in_dim3A_505 : vector<1024x576xi1>, vector<1024x576xi32>
    %reduce_min3A_507 = arith.constant dense<2147483647> : vector<576xi32>
    %reduce_min3A_508 = vector.multi_reduction <minsi>, %select_n3A_506, %reduce_min3A_507 [0] : vector<1024x576xi32> to vector<576xi32>
    %get3A_509 = arith.constant 15 : index
    %get3A_510 = arith.constant 0 : index
    %get3A_511 = arith.constant 0 : index
    %get3A_512 = vector.load %arg1[%get3A_509, %get3A_510, %get3A_511] : memref<16x64x576xf32, #tpu.memory_space<vmem>>, vector<1x64x576xf32>
    %get3A_513 = vector.shape_cast %get3A_512 : vector<1x64x576xf32> to vector<64x576xf32>
    %mul3A_514 = arith.mulf %get3A_513, %get3A_513 : vector<64x576xf32>
    %reduce_sum3A_515 = arith.constant dense<0.000000e+00> : vector<576xf32>
    %reduce_sum3A_516 = vector.multi_reduction <add>, %mul3A_514, %reduce_sum3A_515 [0] : vector<64x576xf32> to vector<576xf32>
    %broadcast_in_dim3A_517 = vector.shape_cast %reduce_sum3A_516 : vector<576xf32> to vector<1x576xf32>
    %sqrt3A_518 = math.sqrt %broadcast_in_dim3A_517 : vector<1x576xf32>
    %max3A_519 = arith.constant 9.99999996E-13 : f32
    %max3A_520 = vector.broadcast %max3A_519 : f32 to vector<1x576xf32>
    %max3A_521 = arith.maximumf %sqrt3A_518, %max3A_520 : vector<1x576xf32>
    %div3A_522 = vector.broadcast %max3A_521 : vector<1x576xf32> to vector<64x576xf32>
    %div3A_523 = arith.divf %get3A_513, %div3A_522 : vector<64x576xf32>
    %dot_general3A_524 = arith.constant dense<0.000000e+00> : vector<1024x576xf32>
    %dot_general3A_525 = tpu.matmul %div3A_5, %div3A_523, %dot_general3A_524 {dimension_numbers = #tpu.dot_dimension_numbers<[0], [0], [1], [1], [0, 1, 1, 1], [], []>, transpose_lhs_hint = false} : vector<64x1024xf32>, vector<64x576xf32>, vector<1024x576xf32> -> vector<1024x576xf32>
    %iota3A_526 = tpu.iota {dimensions = array<i32: 0>} : vector<1024x576xi32>
    %eq3A_527 = arith.constant 0 : i32
    %eq3A_528 = vector.broadcast %eq3A_527 : i32 to vector<1024x576xi32>
    %eq3A_529 = arith.cmpi eq, %iota3A_526, %eq3A_528 : vector<1024x576xi32>
    %jit3A_530 = arith.constant 0xFF800000 : f32
    %broadcast_in_dim3A_531 = vector.broadcast %jit3A_530 : f32 to vector<1024x576xf32>
    %select_n3A_532 = arith.select %eq3A_529, %broadcast_in_dim3A_531, %dot_general3A_525 : vector<1024x576xi1>, vector<1024x576xf32>
    %reduce_max3A_533 = arith.constant dense<0xFF800000> : vector<576xf32>
    %reduce_max3A_534 = vector.multi_reduction <maximumf>, %select_n3A_532, %reduce_max3A_533 [0] : vector<1024x576xf32> to vector<576xf32>
    %broadcast_in_dim3A_535 = vector.shape_cast %reduce_max3A_534 : vector<576xf32> to vector<1x576xf32>
    %eq3A_536 = vector.broadcast %broadcast_in_dim3A_535 : vector<1x576xf32> to vector<1024x576xf32>
    %eq3A_537 = arith.cmpf oeq, %select_n3A_532, %eq3A_536 : vector<1024x576xf32>
    %jit3A_538 = arith.constant 1024 : i32
    %broadcast_in_dim3A_539 = vector.broadcast %jit3A_538 : i32 to vector<1024x576xi32>
    %select_n3A_540 = arith.select %eq3A_537, %iota3A_526, %broadcast_in_dim3A_539 : vector<1024x576xi1>, vector<1024x576xi32>
    %reduce_min3A_541 = arith.constant dense<2147483647> : vector<576xi32>
    %reduce_min3A_542 = vector.multi_reduction <minsi>, %select_n3A_540, %reduce_min3A_541 [0] : vector<1024x576xi32> to vector<576xi32>
    %concatenate3A = tpu.concatenate %reduce_min3A_32, %reduce_min3A_66, %reduce_min3A_100, %reduce_min3A_134, %reduce_min3A_168, %reduce_min3A_202, %reduce_min3A_236, %reduce_min3A_270, %reduce_min3A_304, %reduce_min3A_338, %reduce_min3A_372, %reduce_min3A_406, %reduce_min3A_440, %reduce_min3A_474, %reduce_min3A_508, %reduce_min3A_542 in 0 : vector<576xi32>, vector<576xi32>, vector<576xi32>, vector<576xi32>, vector<576xi32>, vector<576xi32>, vector<576xi32>, vector<576xi32>, vector<576xi32>, vector<576xi32>, vector<576xi32>, vector<576xi32>, vector<576xi32>, vector<576xi32>, vector<576xi32>, vector<576xi32> -> vector<9216xi32>
    %mul3A_543 = arith.constant 9216 : i32
    %mul3A_544 = arith.muli %arg0, %mul3A_543 : i32
    %swap3A = arith.index_cast %mul3A_544 : i32 to index
    %swap3A_545 = vector.load %arg3[%swap3A] : memref<18432xi32, #tpu.memory_space<vmem>>, vector<9216xi32>
    tpu.vector_store %arg3[%swap3A], %concatenate3A {strides = array<i32>} : memref<18432xi32, #tpu.memory_space<vmem>>, vector<9216xi32>,
    return
  }
  func.func @transform_0(%arg0: i32) -> (i32, i32, i32) {
    %c0_i32 = arith.constant 0 : i32
    %c0_i32_0 = arith.constant 0 : i32
    %c0_i32_1 = arith.constant 0 : i32
    return %arg0, %c0_i32, %c0_i32_0 : i32, i32, i32
  }
  func.func @transform_1(%arg0: i32) -> (i32, i32) {
    %c0_i32 = arith.constant 0 : i32
    %c0_i32_0 = arith.constant 0 : i32
    %c0_i32_1 = arith.constant 0 : i32
    return %c0_i32, %c0_i32_0 : i32, i32
  }
  func.func @transform_2(%arg0: i32) -> i32 {
    %c0_i32 = arith.constant 0 : i32
    %c0_i32_0 = arith.constant 0 : i32
    return %c0_i32 : i32
  }
}

</mosaic_0001>

<sc_bundles>
// kernel: kernel.4.cloned.1.call-start
scs
__scs_entry_jumppad:
0x0: {  	(pc) =	sbr.rel $0x88, $3  }
0x1: {  	(tag) =	ssettag $0x0;
	lr =	simm.s32 $0x1  }
0x2: {  	[smem:$0x3F9F] =	sst lr;
	_ =	strace $0xD0000000  }
0x3: {  	_ = 	snop  }
0x4: {  	_ = 	snop  }
0x5: {  	_ = 	snop  }
0x6: {  	_ = 	snop  }
0x7: {  	_ = 	snop  }
__scs_overlays_trampoline_lowered:
0x8: {  	[smem:$0x3FAE] =	sst s0  }
0x9: {  	[smem:$0x3FAF] =	sst s1  }
0xa: {  	[smem:$0x3FB0] =	sst s2  }
0xb: {  	[smem:$0x3FB1] =	sst s3  }
0xc: {  	[smem:$0x3FB2] =	sst s4  }
0xd: {  	[smem:$0x3FB3] =	sst s5  }
0xe: {  	[smem:$0x3FB4] =	sst s6  }
0xf: {  	[smem:$0x3FB5] =	sst s7  }
0x10: {  	[smem:$0x3FB6] =	sst s8  }
0x11: {  	[smem:$0x3FB7] =	sst s9;
	s0 =	simm.s32 @!p0 $0x0  }
0x12: {  	s1 =	sld [smem:$0x3F9D];
	s0 =	simm.s32 @p0 $0x1  }
0x13: {  	[smem:$0x3FB8] =	sst s0;
	s0 =	simm.s32 @!p1 $0x0  }
0x14: {  	s2 =	sld [smem:$0x3F9C];
	s0 =	simm.s32 @p1 $0x1  }
0x15: {  	[smem:$0x3FB9] =	sst s0;
	s0 =	simm.s32 @!p2 $0x0  }
0x16: {  	s3 =	sld [smem:$0x3FDB];
	s0 =	simm.s32 @p2 $0x1  }
0x17: {  	s4 =	simm.s32 $0x1BF5;
	[smem:$0x3FBB] =	sst s0  }
0x18: {  	s0 =	sld [smem:$0x3F9E];
	_ =	swait.ge [sflag:s4], $0x0  }
0x19: {  	s7 =	sld [smem:$0x3F9F]  }
0x1a: {  	s8 =	sadd.s32 $0xFFFFE003, lr  }
0x1b: {  	s9 =	sadd.s32 $0xFFFFFEF7, lr;
	s5 =	simm.s32 $0xFFFFFFFF;
	p2 =	slt.u32 s8, $0xFFFFF086  }
0x1c: {  	p1 =	slt.u32 s9, $0xF7A;
	s5 =	simm.s32 @!p2 $0x0  }
0x1d: {  	s5 =	simm.s32 @p1 $0x1;
	p0 =	seq.s32 s7, s2  }
0x1e: {  	s7 =	smul.u32 @!p0 $0xF7A, s2;
	p2 =	seq.s32 @!p0 s5, $0x0  }
0x1f: {  	s9 =	smul.u32 $0xF7A, s1;
	s8 =	simm.s32 @!p0 $0x1BF5;
	p2 =	por !p2, p0  }
0x20: {  	[sflag:s8] =	ssyncset.s32 @!p0 $0xFFFFF086;
	s6 =	sadd.s32 @!p0 s3, s7;
	s7 =	simm.s32 @!p0 $0x108  }
0x21: {  	s3 =	sadd.s32 s3, s9;
	s6 =	sadd.s32 @!p0 $0x88, s6;
	s7 =	simm.s32 @p2 $0x1082  }
0x22: {  	[simem:s7], [sflag:s8] =	dma.local @!p0 [hbm:s6], $0xF7A  }
0x23: {  	s9 =	sor.u32 $0xD0000000, s2;
	s6 =	simm.s32 $0x108;
	_ =	swait.ge @!p0 [sflag:s8], $0x0  }
0x24: {  	s3 =	sadd.s32 $0x88, s3;
	s6 =	simm.s32 @!p1 $0x1082;
	[sflag:s4] =	ssyncset.s32 $0xFFFFF086  }
0x25: {  	[simem:s6], [sflag:s4] =	dma.local [hbm:s3], $0xF7A  }
0x26: {  	[smem:$0x3F9F] =	sst s1;
	(tag) =	ssettag s2;
	_ =	strace s9  }
0x27: {  	s1 =	sld [smem:$0x3FAF]  }
0x28: {  	s2 =	sld [smem:$0x3FB0]  }
0x29: {  	s4 =	sld [smem:$0x3FB2]  }
0x2a: {  	p0 =	seq.s32 s5, $0x0;
	s5 =	sld [smem:$0x3FB3]  }
0x2b: {  	s6 =	sld [smem:$0x3FB4]  }
0x2c: {  	s7 =	sld [smem:$0x3FB5]  }
0x2d: {  	s3 =	simm.s32 $0x108;
	s8 =	sld [smem:$0x3FB6]  }
0x2e: {  	s3 =	simm.s32 @!p0 $0x1082;
	s9 =	sld [smem:$0x3FB7]  }
0x2f: {  	lr =	sadd.s32 s0, s3;
	s0 =	sld [smem:$0x3FAE]  }
0x30: {  	s3 =	sld [smem:$0x3FB1]  }
0x31: {  	[smem:$0x3FBA] =	sst s10  }
0x32: {  	s10 =	sld [smem:$0x3FB8];
	_ =	sdelay $0x3  }
0x33: {  	p0 =	seq.s32 s10, $0x1;
	s10 =	sld [smem:$0x3FBA];
	_ =	sdelay $0x3  }
0x34: {  	[smem:$0x3FBA] =	sst s10  }
0x35: {  	s10 =	sld [smem:$0x3FB9];
	_ =	sdelay $0x3  }
0x36: {  	p1 =	seq.s32 s10, $0x1;
	s10 =	sld [smem:$0x3FBA];
	_ =	sdelay $0x3  }
0x37: {  	[smem:$0x3FBA] =	sst s10  }
0x38: {  	s10 =	sld [smem:$0x3FBB]  }
0x39: {  	_ = 	snop;
	(pc) =	sbr.ind lr, $3  }
0x3a: {  	_ = 	snop  }
0x3b: {  	_ = 	snop  }
0x3c: {  	p2 =	seq.s32 s10, $0x1;
	s10 =	sld [smem:$0x3FBA]  }
0x3d: {  	_ =	shalt  }
0x3e: {  	_ =	shalt  }
0x3f: {  	_ =	shalt  }
0x40: {  	_ =	shalt  }
0x41: {  	_ =	shalt  }
0x42: {  	_ =	shalt  }
0x43: {  	_ =	shalt  }
0x44: {  	_ =	shalt  }
0x45: {  	_ =	shalt  }
0x46: {  	_ =	shalt  }
0x47: {  	_ =	shalt  }
0x48: {  	_ =	shalt  }
0x49: {  	_ =	shalt  }
0x4a: {  	_ =	shalt  }
0x4b: {  	_ =	shalt  }
0x4c: {  	_ =	shalt  }
0x4d: {  	_ =	shalt  }
0x4e: {  	_ =	shalt  }
0x4f: {  	_ =	shalt  }
0x50: {  	_ =	shalt  }
0x51: {  	_ =	shalt  }
0x52: {  	_ =	shalt  }
0x53: {  	_ =	shalt  }
0x54: {  	_ =	shalt  }
0x55: {  	_ =	shalt  }
0x56: {  	_ =	shalt  }
0x57: {  	_ =	shalt  }
0x58: {  	_ =	shalt  }
0x59: {  	_ =	shalt  }
0x5a: {  	_ =	shalt  }
0x5b: {  	_ =	shalt  }
0x5c: {  	_ =	shalt  }
0x5d: {  	_ =	shalt  }
0x5e: {  	_ =	shalt  }
0x5f: {  	_ =	shalt  }
0x60: {  	_ =	shalt  }
0x61: {  	_ =	shalt  }
0x62: {  	_ =	shalt  }
0x63: {  	_ =	shalt  }
0x64: {  	_ =	shalt  }
0x65: {  	_ =	shalt  }
0x66: {  	_ =	shalt  }
0x67: {  	_ =	shalt  }
0x68: {  	_ =	shalt  }
0x69: {  	_ =	shalt  }
0x6a: {  	_ =	shalt  }
0x6b: {  	_ =	shalt  }
0x6c: {  	_ =	shalt  }
0x6d: {  	_ =	shalt  }
0x6e: {  	_ =	shalt  }
0x6f: {  	_ =	shalt  }
0x70: {  	_ =	shalt  }
0x71: {  	_ =	shalt  }
0x72: {  	_ =	shalt  }
0x73: {  	_ =	shalt  }
0x74: {  	_ =	shalt  }
0x75: {  	_ =	shalt  }
0x76: {  	_ =	shalt  }
0x77: {  	_ =	shalt  }
0x78: {  	_ =	shalt  }
0x79: {  	_ =	shalt  }
0x7a: {  	_ =	shalt  }
0x7b: {  	_ =	shalt  }
0x7c: {  	_ =	shalt  }
0x7d: {  	_ =	shalt  }
0x7e: {  	_ =	shalt  }
0x7f: {  	_ =	shalt  }
0x80: {  	_ =	shalt  }
0x81: {  	_ =	shalt  }
0x82: {  	_ =	shalt  }
0x83: {  	_ =	shalt  }
0x84: {  	_ =	shalt  }
0x85: {  	_ =	shalt  }
0x86: {  	_ =	shalt  }
0x87: {  	_ =	shalt  }
.Lfunc_end0:
.L_simem_size_0:
called_computation_lowered:
.L_overlay_start_0:
0x88: {  	s2 =	sld [smem:$0x3FD9]  }
0x89: {  	s3 =	sld [smem:$0x3FFE];
	_ =	sdelay $0x1  }
0x8a: {  	s1 =	srdreg.scid  }
0x8b: {  	s0 =	sand.u32 $0x1, s1  }
0x8c: {  	s14 =	sshll.u32 s0, $0xA;
	s2 =	sadd.s32 s3, s2  }
0x8d: {  	s2 =	sadd.s32 s2, s14  }
0x8e: {  	[smem:$0x3FC6] =	sst s2  }
0x8f: {  	_ = 	snop  }
0x90: {  	s2 =	sld [smem:$0x3FD0];
	_ =	sdelay $0x2  }
0x91: {  	s15 =	simm.s32 $0xA;
	s4 =	simm.s32 $0x10  }
0x92: {  	[smem:s4], [sflag:s15] =	dma.local [hbm:s2], $0x1  }
0x93: {  	_ =	swait.eq [sflag:s15], $0x1  }
0x94: {  	[sflag:s15] =	ssyncset.done $0x0  }
0x95: {  	[sflag:s15] =	ssyncadd.s32 $0xFFFFFFFF  }
0x96: {  	s16 =	sld [smem:$0x10];
	(tm) =	ssettm $0x1  }
0x97: {  	s17 =	sld [smem:$0x3FFB];
	_ =	sdelay $0x3  }
0x98: {  	_ =	strace s17  }
0x99: {  	s3 =	sld [smem:$0x3FFC];
	_ =	sdelay $0x3  }
0x9a: {  	_ =	strace s3  }
0x9b: {  	s3 =	sld [smem:$0x3FFD];
	_ =	sdelay $0x3  }
0x9c: {  	_ =	strace s3  }
0x9d: {  	_ =	strace $0x8FFFFFFF  }
0x9e: {  	s18 =	sld [smem:$0x3FDB];
	_ =	sdelay $0x1  }
0x9f: {  	s19 =	simm.s32 $_scs_section_size  }
0xa0: {  	s5 =	simm.s32 $_size__tile_overlayer_lowered;
	s6 =	simm.s32 $_tile_overlayer_lowered  }
0xa1: {  	s22 =	simm.s32 $0x1BFF;
	s21 =	sshll.u32 s6, $0x1;
	s3 =	sadd.s32 s19, s18  }
0xa2: {  	s7 =	simm.s32 $0x0;
	s20 =	sshll.u32 s5, $0x1;
	s5 =	sadd.s32 s21, s3  }
0xa3: {  	[timem:s7], [sflag:s22] =	dma.local [hbm:s5], s20  }
0xa4: {  	_ =	swait.ge [sflag:s22], s20  }
0xa5: {  	s4 =	ssub.s32 $0x0, s20;
	[sflag:s22] =	ssyncset.done $0x0  }
0xa6: {  	[sflag:s22] =	ssyncadd.s32 s4;
	_ =	sdelay $0x1  }
0xa7: {  	s23 =	simm.s32 $0x1B8B  }
0xa8: {  	_ =	swait.ge [sflag:s23], $0x1  }
0xa9: {  	[sflag:s23] =	ssyncset.done $0x0  }
0xaa: {  	s25 =	simm.s32 $0x1B8E;
	s24 =	sld [smem:$0x3FFE];
	[sflag:s23] =	ssyncadd.s32 $0xFFFFFFFF  }
0xab: {  	s26 =	simm.s32 $execute0_lowered;
	[smem:$0x3FD2] =	sst s25  }
0xac: {  	s5 =	sshll.u32 s26, $0x1;
	_ =	strace $0x80000046;
	[dreg:$0x1] =	wrdreg $0xFFFFFFFF  }
0xad: {  	s28 =	simm.s32 $_size_execute0_lowered;
	s3 =	sadd.s32 s3, s5;
	[dreg:$0x0] =	wrdreg $0x0  }
0xae: {  	s5 =	sshll.u32 s28, $0x1;
	[dreg:$0x2] =	wrdreg s3  }
0xaf: {  	[dreg:$0x3] =	wrdreg s5  }
0xb0: {  	[dreg:$0x4] =	wrdreg $0xC0  }
0xb1: {  	_ =	task [dreg:s7], $0x5FFFF  }
0xb2: {  	[dreg:$0x1] =	wrdreg $0xFFFFFFFF  }
0xb3: {  	[dreg:$0x0] =	wrdreg $0x60  }
0xb4: {  	[dreg:$0x2] =	wrdreg s24  }
0xb5: {  	[dreg:$0x3] =	wrdreg s16  }
0xb6: {  	[dreg:$0x4] =	wrdreg $0x9  }
0xb7: {  	_ =	task.clear_ibuf [dreg:s7], $0x5FFFF;
	_ =	strace $0x90000046  }
0xb8: {  	s29 =	simm.s32 $0x9;
	_ =	strace $0x80000048  }
0xb9: {  	_ =	swait.ge [sflag:s29], $0x1  }
0xba: {  	[sflag:s29] =	ssyncadd.s32 $0xFFFFFFFF  }
0xbb: {  	_ =	strace $0x90000048  }
0xbc: {  	_ =	sfence  }
0xbd: {  	s30 =	sld [smem:$0x0];
	_ =	sdelay $0x2  }
0xbe: {  	s31 =	sshll.u32 s1, $0xD;
	s1 =	sshrl.u32 s1, $0x2  }
0xbf: {  	s3 =	sand.u32 $0x4000, s31;
	s1 =	sadd.s32 s1, s30  }
0xc0: {  	s0 =	sor.u32 s3, s0;
	s1 =	sshll.u32 s1, $0x11  }
0xc1: {  	s0 =	sor.u32 s1, s0  }
0xc2: {  	s0 =	sadd.s32 $0x8F2B, s0  }
0xc3: {  	[sflag:s0] =	ssyncadd.remote.s32 $0x1  }
0xc4: {  	_ =	sfence.sel $0xFFFF  }
0xc5: {  	[dreg:$0x0] =	wrdreg $0xFFFFFFFF;
	(pc) =	sbr.abs _section_cstart, $3  }
0xc6: {  	[dreg:$0x1] =	wrdreg $0xFFFFFFFF  }
0xc7: {  	_ =	task.clear_ibuf [dreg:s7], $0x2FFFF;
	_ =	strace $0x9FFFFFFF  }
0xc8: {  	(tm) =	ssettm $0x7FFFFFFF  }
0xc9: {  	_ =	shalt  }
tec
execute0_lowered:
.L_overlay_start_1:
0x0: {  	(tag) =	ssettag $0x1  }
0x1: {  	s1 =	srdreg.scid;
	s0 =	stileid.u32  }
0x2: {  	s18 =	sand.u32 $0x1, s1;
	s30 =	sshll.u32 s0, $0x1  }
0x3: {  	s5 =	rddreg [dreg:$0x0];
	s19 =	sor.u32 s18, s30  }
0x4: {  	s20 =	rddreg [dreg:$0x1];
	s3 =	smul.u32 $0x48, s19  }
0x5: {  	s2 =	simm.s32 $0x0;
	s1 =	rddreg [dreg:$0x2]  }
0x6: {  	[smem:$0x7FF] =	sst s2;
	s3 =	sadd.s32 s3, s5  }
0x7: {  	_ =	strace $0x80000047;
	s4 =	sadd.s32 $0x2C00, s3;
	s3 =	simm.s32 $0x2  }
0x8: {  	[tilespmem:s2], [sflag:$0x2] =	stream.linear.gather [hbm4b:s4+s2], $0x240, $0x38;
	[tilespmem:$0x9240] =	vst v63  }
0x9: {  	_ =	swait.ge [sflag:s3], $0x240  }
0xa: {  	s6 =	simm.s32 $0x60;
	[sflag:s3] =	ssyncset.done $0x0  }
0xb: {  	s7 =	simm.s32 $0x240;
	s5 =	sadd.s32 $0xC00, s5;
	[sflag:s3] =	ssyncadd.s32 $0xFFFFFDC0  }
0xc: {  	[tilespmem:s7], [sflag:$0x1] =	stream.indirect.gather [hbm4b:s5+s6], $0x40, s2, s6, $0xb8;
	[tilespmem:$0x9240] =	vst v63  }
0xd: {  	s8 =	simm.s32 $0x1A40  }
0xe: {  	[tilespmem:s8], [sflag:$0x1] =	stream.indirect.gather [hbm4b:s5+s6], $0x40, s6, s6, $0xb8;
	[tilespmem:$0x9240] =	vst v63  }
0xf: {  	s9 =	simm.s32 $0xC0;
	s10 =	simm.s32 $0x3240  }
0x10: {  	[tilespmem:s10], [sflag:$0x1] =	stream.indirect.gather [hbm4b:s5+s6], $0x40, s9, s6, $0xb8;
	[tilespmem:$0x9240] =	vst v63  }
0x11: {  	s11 =	simm.s32 $0x120;
	s12 =	simm.s32 $0x4A40  }
0x12: {  	[tilespmem:s12], [sflag:$0x1] =	stream.indirect.gather [hbm4b:s5+s6], $0x40, s11, s6, $0xb8;
	[tilespmem:$0x9240] =	vst v63  }
0x13: {  	s13 =	simm.s32 $0x180;
	s14 =	simm.s32 $0x6240  }
0x14: {  	[tilespmem:s14], [sflag:$0x1] =	stream.indirect.gather [hbm4b:s5+s6], $0x40, s13, s6, $0xb8;
	[tilespmem:$0x9240] =	vst v63  }
0x15: {  	s15 =	simm.s32 $0x1E0;
	s16 =	simm.s32 $0x7A40;
	s17 =	simm.s32 $0x1  }
0x16: {  	[tilespmem:s16], [sflag:$0x1] =	stream.indirect.gather [hbm4b:s5+s6], $0x40, s15, s6, $0xb8;
	[tilespmem:$0x9240] =	vst v63  }
0x17: {  	_ =	swait.ge [sflag:s17], $0x1800  }
0x18: {  	[sflag:s17] =	ssyncset.done $0x0  }
0x19: {  	[sflag:s17] =	ssyncadd.s32 $0xFFFFE800  }
0x1a: {  	_ =	swait.ge [sflag:s17], $0x1800  }
0x1b: {  	[sflag:s17] =	ssyncset.done $0x0  }
0x1c: {  	[sflag:s17] =	ssyncadd.s32 $0xFFFFE800  }
0x1d: {  	_ =	swait.ge [sflag:s17], $0x1800  }
0x1e: {  	[sflag:s17] =	ssyncset.done $0x0  }
0x1f: {  	[sflag:s17] =	ssyncadd.s32 $0xFFFFE800  }
0x20: {  	_ =	swait.ge [sflag:s17], $0x1800  }
0x21: {  	[sflag:s17] =	ssyncset.done $0x0  }
0x22: {  	s18 =	ssub.s32 $0x2, s18;
	[sflag:s17] =	ssyncadd.s32 $0xFFFFE800  }
0x23: {  	s21 =	sshrl.u32 s18, $0x1;
	_ =	swait.ge [sflag:s17], $0x1800  }
0x24: {  	s21 =	ssub.s32 s18, s21;
	[sflag:s17] =	ssyncset.done $0x0  }
0x25: {  	s31 =	smax.u32 s21, $0x1;
	[sflag:s17] =	ssyncadd.s32 $0xFFFFE800  }
0x26: {  	s19 =	smul.u32 $0x1200, s19;
	p0 =	sne.s32 s31, $0x1;
	_ =	swait.ge [sflag:s17], $0x1800  }
.Ltmp0:
0x27: {  	[sflag:s17] =	ssyncset.done $0x0;
	(pc) =	sbr.rel @!p0 .LBB2_2-.Ltmp0, $4  }
0x28: {  	s18 =	sadd.s32 s20, s19;
	[sflag:s17] =	ssyncadd.s32 $0xFFFFE800  }
0x29: {  	[hbm4b:s18+s2] =	stream.linear.scatter [tilespmem:s7], [sflag:$0x2], $0x9000, $0x38;
	[tilespmem:$0x9240] =	vst v63  }
0x2a: {  	_ =	swait.ge [sflag:s3], $0x9000  }
0x2b: {  	s19 =	sadd.s32 $0xFFFFFFFF, s31;
	[sflag:s3] =	ssyncset.done $0x0  }
.LBB2_1:
0x2c: {  	p0 =	sne.s32 s19, $0x1;
	s19 =	sadd.s32 $0xFFFFFFFF, s19;
	[sflag:s3] =	ssyncadd.s32 $0xFFFF7000  }
0x2d: {  	[tilespmem:s2], [sflag:$0x2] =	stream.linear.gather [hbm4b:s4+s2], $0x240, $0x38;
	[tilespmem:$0x9240] =	vst v63  }
0x2e: {  	_ =	swait.ge [sflag:s3], $0x240  }
0x2f: {  	[sflag:s3] =	ssyncset.done $0x0  }
0x30: {  	[sflag:s3] =	ssyncadd.s32 $0xFFFFFDC0  }
0x31: {  	[tilespmem:s7], [sflag:$0x1] =	stream.indirect.gather [hbm4b:s5+s6], $0x40, s2, s6, $0xb8;
	[tilespmem:$0x9240] =	vst v63  }
0x32: {  	_ = 	snop  }
0x33: {  	[tilespmem:s8], [sflag:$0x1] =	stream.indirect.gather [hbm4b:s5+s6], $0x40, s6, s6, $0xb8;
	[tilespmem:$0x9240] =	vst v63  }
0x34: {  	_ = 	snop  }
0x35: {  	[tilespmem:s10], [sflag:$0x1] =	stream.indirect.gather [hbm4b:s5+s6], $0x40, s9, s6, $0xb8;
	[tilespmem:$0x9240] =	vst v63  }
0x36: {  	_ = 	snop  }
0x37: {  	[tilespmem:s12], [sflag:$0x1] =	stream.indirect.gather [hbm4b:s5+s6], $0x40, s11, s6, $0xb8;
	[tilespmem:$0x9240] =	vst v63  }
0x38: {  	_ = 	snop  }
0x39: {  	[tilespmem:s14], [sflag:$0x1] =	stream.indirect.gather [hbm4b:s5+s6], $0x40, s13, s6, $0xb8;
	[tilespmem:$0x9240] =	vst v63  }
0x3a: {  	_ = 	snop  }
0x3b: {  	[tilespmem:s16], [sflag:$0x1] =	stream.indirect.gather [hbm4b:s5+s6], $0x40, s15, s6, $0xb8;
	[tilespmem:$0x9240] =	vst v63  }
0x3c: {  	_ =	swait.ge [sflag:s17], $0x1800  }
0x3d: {  	[sflag:s17] =	ssyncset.done $0x0  }
0x3e: {  	[sflag:s17] =	ssyncadd.s32 $0xFFFFE800  }
0x3f: {  	_ =	swait.ge [sflag:s17], $0x1800  }
0x40: {  	[sflag:s17] =	ssyncset.done $0x0  }
0x41: {  	[sflag:s17] =	ssyncadd.s32 $0xFFFFE800  }
0x42: {  	_ =	swait.ge [sflag:s17], $0x1800  }
0x43: {  	[sflag:s17] =	ssyncset.done $0x0  }
0x44: {  	[sflag:s17] =	ssyncadd.s32 $0xFFFFE800  }
0x45: {  	_ =	swait.ge [sflag:s17], $0x1800  }
0x46: {  	[sflag:s17] =	ssyncset.done $0x0  }
0x47: {  	[sflag:s17] =	ssyncadd.s32 $0xFFFFE800  }
0x48: {  	_ =	swait.ge [sflag:s17], $0x1800  }
0x49: {  	[sflag:s17] =	ssyncset.done $0x0  }
0x4a: {  	[sflag:s17] =	ssyncadd.s32 $0xFFFFE800  }
0x4b: {  	_ =	swait.ge [sflag:s17], $0x1800  }
.Ltmp1:
0x4c: {  	[sflag:s17] =	ssyncset.done $0x0;
	(pc) =	sbr.rel @p0 .LBB2_1-.Ltmp1, $4  }
0x4d: {  	[sflag:s17] =	ssyncadd.s32 $0xFFFFE800  }
0x4e: {  	[hbm4b:s18+s2] =	stream.linear.scatter [tilespmem:s7], [sflag:$0x2], $0x9000, $0x38;
	[tilespmem:$0x9240] =	vst v63  }
0x4f: {  	_ =	swait.ge [sflag:s3], $0x9000  }
0x50: {  	[sflag:s3] =	ssyncset.done $0x0  }
.LBB2_2:
0x51: {  	[sflag:s3] =	ssyncadd.s32 $0xFFFF7000  }
0x52: {  	_ =	sfence.sel $0x180000  }
0x53: {  	[bflag:$0x0] =	sbarrier.arrive $0xFFFF  }
0x54: {  	p0 =	sne.s32 s0, $0x0;
	_ =	strace $0x90000047  }
0x55: {  	s0 =	sadd.s32 @!p0 $0x100000, s1;
	[bflag:$0x2] =	sbarrier.arrive $0xFFFF  }
0x56: {  	[sflag:s0] =	ssyncadd.tile.s32 @!p0 $0x1;
	_ =	shalt  }
.Lfunc_end2:
_tile_overlayer_lowered:
.L_overlay_start_2:
0x57: {  	(tag) =	ssettag $0x2  }
0x58: {  	s0 =	rddreg [dreg:$0x0];
	s2 =	stileid.u32  }
0x59: {  	s1 =	rddreg [dreg:$0x1];
	p0 =	sne.s32 s2, $0x0  }
0x5a: {  	s3 =	rddreg [dreg:$0x2];
	[bflag:$0x3] =	sbarrier.arrive $0xFFFF;
	s2 =	simm.s32 @!p0 $0x1C02  }
0x5b: {  	[timem:s3], [sflag:s2] =	dma.local @!p0 [hbm:s0], s1  }
0x5c: {  	s0 =	simm.s32 @!p0 $0x2  }
0x5d: {  	_ =	swait.ge @!p0 [sflag:s0], s1  }
0x5e: {  	s1 =	ssub.s32 @!p0 $0x0, s1;
	[sflag:s0] =	ssyncset.done @!p0 $0x0  }
0x5f: {  	[sflag:s0] =	ssyncadd.s32 @!p0 s1  }
0x60: {  	[bflag:$0x3] =	sbarrier.arrive $0xFFFF  }
0x61: {  	_ =	shalt  }

</sc_bundles>
